<compile_context>
chip_gen: v7x
topology: tpu7x:2x2x1
jax: 0.10.2.dev20260603
libtpu: 0.0.44.dev20260713+nightly
codegen_flags: <defaults>
</compile_context>

<pallas_src>
import jax
import jax.numpy as jnp
from jax import lax
from jax.experimental import pallas as pl
from jax.experimental.pallas import tpu as pltpu
from jax.experimental.pallas import tpu_sc as plsc

N = 10000
E = 320000
D = 128
NC = 2
NS = 16
NW = NC * NS
CPW = D // NW
LANES = 16
CHUNK = 16000
NCHUNK = E // CHUNK
GROUPS = CHUNK // LANES


def _make_sc_body(with_deg):
    def body(table_hbm, edge_hbm, *refs):
        if with_deg:
            (out_hbm, deg_hbm, xt, acc, deg, eb_a, eb_b,
             sem_tab, sem_a, sem_b) = refs
        else:
            (out_hbm, xt, acc, eb_a, eb_b,
             sem_tab, sem_a, sem_b) = refs
            deg = None

        cid = lax.axis_index("c")
        sid = lax.axis_index("s")
        wid = sid * NC + cid

        base = wid * NCHUNK // NW

        def chunk_off(k):
            ck = base + k
            ck = jnp.where(ck >= NCHUNK, ck - NCHUNK, ck)
            return ck * CHUNK

        pltpu.make_async_copy(table_hbm.at[wid], xt, sem_tab).start()
        pltpu.make_async_copy(edge_hbm.at[pl.ds(chunk_off(0), CHUNK)], eb_a, sem_a).start()

        zero16 = jnp.zeros((LANES,), jnp.float32)
        ones16 = jnp.ones((LANES,), jnp.float32)

        @plsc.parallel_loop(0, (N * CPW) // LANES, unroll=4)
        def zero_acc(i):
            acc[pl.ds(i * LANES, LANES)] = zero16

        if with_deg:
            @plsc.parallel_loop(0, N // LANES, unroll=4)
            def zero_deg(i):
                deg[pl.ds(i * LANES, LANES)] = zero16

        pltpu.make_async_copy(table_hbm.at[wid], xt, sem_tab).wait()

        def process(eb):
            @plsc.parallel_loop(0, GROUPS, unroll=4)
            def grp(g):
                e16 = eb[pl.ds(g * LANES, LANES)]
                s16 = e16 & 0xFFFF
                d16 = lax.shift_right_logical(e16, 16)
                for c in range(CPW):
                    vals = plsc.load_gather(xt, [s16 + c * N])
                    plsc.addupdate_scatter(acc, [d16 + c * N], vals)
                if with_deg:
                    plsc.addupdate_scatter(deg, [d16], ones16)

        def chunk_pair(i, carry):
            pltpu.make_async_copy(edge_hbm.at[pl.ds(chunk_off(2 * i + 1), CHUNK)], eb_b, sem_b).start()
            pltpu.make_async_copy(edge_hbm.at[pl.ds(0, CHUNK)], eb_a, sem_a).wait()
            process(eb_a)
            pltpu.make_async_copy(edge_hbm.at[pl.ds(chunk_off(2 * i + 2), CHUNK)], eb_a, sem_a).start()
            pltpu.make_async_copy(edge_hbm.at[pl.ds(0, CHUNK)], eb_b, sem_b).wait()
            process(eb_b)
            return carry

        lax.fori_loop(0, NCHUNK // 2, chunk_pair, None)

        pltpu.make_async_copy(edge_hbm.at[pl.ds(0, CHUNK)], eb_a, sem_a).wait()

        pltpu.sync_copy(acc, out_hbm.at[wid])
        if with_deg:
            @pl.when(wid == 0)
            def _():
                pltpu.sync_copy(deg, deg_hbm)

    return body


def _sc_segment_sum(table_r, edges, with_deg):
    mesh = plsc.VectorSubcoreMesh(core_axis_name="c", subcore_axis_name="s")
    out_type = [jax.ShapeDtypeStruct((NW, N * CPW), jnp.float32)]
    scratch = [
        pltpu.VMEM((N * CPW,), jnp.float32),
        pltpu.VMEM((N * CPW,), jnp.float32),
        pltpu.VMEM((CHUNK,), jnp.int32),
        pltpu.VMEM((CHUNK,), jnp.int32),
        pltpu.SemaphoreType.DMA,
        pltpu.SemaphoreType.DMA,
        pltpu.SemaphoreType.DMA,
    ]
    if with_deg:
        out_type.append(jax.ShapeDtypeStruct((N,), jnp.float32))
        scratch.insert(2, pltpu.VMEM((N,), jnp.float32))
    f = pl.kernel(
        _make_sc_body(with_deg),
        out_type=tuple(out_type),
        mesh=mesh,
        compiler_params=pltpu.CompilerParams(needs_layout_passes=False),
        scratch_types=scratch,
    )
    return f(table_r, edges)


def _matmul_bias(xin, w, b):
    bm = 2000

    def body(x_ref, w_ref, b_ref, o_ref):
        o_ref[...] = (
            jnp.dot(x_ref[...], w_ref[...], preferred_element_type=jnp.float32)
            + b_ref[...])

    return pl.pallas_call(
        body,
        grid=(N // bm,),
        in_specs=[
            pl.BlockSpec((bm, D), lambda i: (i, 0)),
            pl.BlockSpec((D, D), lambda i: (0, 0)),
            pl.BlockSpec((1, D), lambda i: (0, 0)),
        ],
        out_specs=pl.BlockSpec((bm, D), lambda i: (i, 0)),
        out_shape=jax.ShapeDtypeStruct((N, D), jnp.float32),
    )(xin, w, b.reshape(1, D))


def _combine(agg_sum, deg, part, w_l, relu):
    bm = 2000

    def body(a_ref, dg_ref, p_ref, wl_ref, o_ref):
        r = jnp.dot(a_ref[...], wl_ref[...], preferred_element_type=jnp.float32)
        r = r / jnp.maximum(dg_ref[...], 1.0)
        r = r + p_ref[...]
        if relu:
            r = jnp.maximum(r, 0.0)
        o_ref[...] = r

    return pl.pallas_call(
        body,
        grid=(N // bm,),
        in_specs=[
            pl.BlockSpec((bm, D), lambda i: (i, 0)),
            pl.BlockSpec((bm, 1), lambda i: (i, 0)),
            pl.BlockSpec((bm, D), lambda i: (i, 0)),
            pl.BlockSpec((D, D), lambda i: (0, 0)),
        ],
        out_specs=pl.BlockSpec((bm, D), lambda i: (i, 0)),
        out_shape=jax.ShapeDtypeStruct((N, D), jnp.float32),
    )(agg_sum, deg.reshape(N, 1), part, w_l)


def _slice_cols(m):
    return m.reshape(N, NW, CPW).transpose(1, 2, 0).reshape(NW, CPW * N)


def _unslice_cols(m):
    return m.reshape(NW, CPW, N).transpose(2, 0, 1).reshape(N, D)


def kernel(x, edge_index, W1_l, b1_l, W1_r, W2_l, b2_l, W2_r):
    src = edge_index[0].astype(jnp.int32)
    dst = edge_index[1].astype(jnp.int32)
    edges = jnp.bitwise_or(jnp.left_shift(dst, 16), src)

    sum1, deg = _sc_segment_sum(_slice_cols(x), edges, with_deg=True)
    p1 = _matmul_bias(x, W1_r, b1_l)
    h = _combine(_unslice_cols(sum1), deg, p1, W1_l, relu=True)

    (sum2,) = _sc_segment_sum(_slice_cols(h), edges, with_deg=False)
    p2 = _matmul_bias(h, W2_r, b2_l)
    return _combine(_unslice_cols(sum2), deg, p2, W2_l, relu=False)

# --- scband reference (transcript-rebuilt; emitter-appended) ---
"""Pipeline reference for scband-police-discriminator-68436008894519 (READ-ONLY COPY).

The authoritative reference and input builder live on the scoring server;
editing this copy changes nothing except your own understanding.
"""

import jax, jax.numpy as jnp
import numpy as np

N_NODES = 10000
N_EDGES = 320000
D = 128

def setup_inputs(seed: int = 0) -> dict:
    key = jax.random.key(seed)
    ks = jax.random.split(key, 10)
    x = jax.random.normal(ks[0], (N_NODES, D), dtype=jnp.float32)
    edge_index = jax.random.randint(ks[1], (2, N_EDGES), 0, N_NODES, dtype=jnp.int64)
    s = 1.0 / np.sqrt(D)
    W1_l = jax.random.uniform(ks[2], (D, D), minval=-s, maxval=s, dtype=jnp.float32)
    b1_l = jax.random.uniform(ks[3], (D,), minval=-s, maxval=s, dtype=jnp.float32)
    W1_r = jax.random.uniform(ks[4], (D, D), minval=-s, maxval=s, dtype=jnp.float32)
    W2_l = jax.random.uniform(ks[5], (D, D), minval=-s, maxval=s, dtype=jnp.float32)
    b2_l = jax.random.uniform(ks[6], (D,), minval=-s, maxval=s, dtype=jnp.float32)
    W2_r = jax.random.uniform(ks[7], (D, D), minval=-s, maxval=s, dtype=jnp.float32)
    return {"x": x, "edge_index": edge_index, "W1_l": W1_l, "b1_l": b1_l, "W1_r": W1_r, "W2_l": W2_l, "b2_l": b2_l, "W2_r": W2_r}


def _sage_conv(x, edge_index, W_l, b_l, W_r):
    # PyG SAGEConv with mean aggregation: out = lin_l(mean_j x_j) + lin_r(x_i)
    src = edge_index[0]
    dst = edge_index[1]
    msg = jnp.take(x, src, axis=0)
    agg = jax.ops.segment_sum(msg, dst, num_segments=N_NODES)
    deg = jax.ops.segment_sum(jnp.ones((msg.shape[0],), dtype=x.dtype), dst, num_segments=N_NODES)
    agg = agg / jnp.clip(deg, 1.0)[:, None]
    return agg @ W_l + b_l + x @ W_r


def reference(x, edge_index, W1_l, b1_l, W1_r, W2_l, b2_l, W2_r):
    # to_hetero with single node type 'node' and single edge type ('node','to','node'),
    # aggr='sum' over edge types reduces to the homogeneous 2-layer GNN.
    h = _sage_conv(x, edge_index, W1_l, b1_l, W1_r)
    h = jax.nn.relu(h)
    out = _sage_conv(h, edge_index, W2_l, b2_l, W2_r)
    # returns x_dict; single node type -> single array
    return out

if __name__ == "__main__":
    import jax
    _d = setup_inputs()
    print(jax.jit(kernel)(*tuple(_d.values())))

</pallas_src>

<mosaic_0001>
#map = affine_map<(d0, d1) -> (0, 0)>
#map1 = affine_map<(d0, d1) -> (0)>
module attributes {stable_mosaic.version = 14 : i64} {
  func.func @body(%arg0: i32, %arg1: i32, %arg2: memref<32x40000xf32, #tpu.memory_space<hbm>>, %arg3: memref<320000xi32, #tpu.memory_space<hbm>>, %arg4: memref<32x40000xf32, #tpu.memory_space<hbm>>, %arg5: memref<10000xf32, #tpu.memory_space<hbm>>, %arg6: memref<40000xf32, #tpu.memory_space<vmem>>, %arg7: memref<40000xf32, #tpu.memory_space<vmem>>, %arg8: memref<10000xf32, #tpu.memory_space<vmem>>, %arg9: memref<16000xi32, #tpu.memory_space<vmem>>, %arg10: memref<16000xi32, #tpu.memory_space<vmem>>, %arg11: memref<!tpu.dma_semaphore, #tpu.memory_space<semaphore_mem>>, %arg12: memref<!tpu.dma_semaphore, #tpu.memory_space<semaphore_mem>>, %arg13: memref<!tpu.dma_semaphore, #tpu.memory_space<semaphore_mem>>) attributes {dimension_semantics = [#tpu.dimension_semantics<core_parallel>, #tpu.dimension_semantics<subcore_parallel>], iteration_bounds = array<i64: 2, 16>, scalar_prefetch = 0 : i64, scratch_operands = 8 : i64, tpu.core_type = #tpu.core_type<sc_vector_subcore>, window_params = [{transform_indices = #map}, {transform_indices = #map1}, {transform_indices = #map}, {transform_indices = #map1}]} {
    %mul3A = arith.constant 2 : i32
    %mul3A_0 = arith.muli %arg1, %mul3A : i32
    %add3A = arith.addi %mul3A_0, %arg0 : i32
    %mul3A_1 = arith.constant 20 : i32
    %mul3A_2 = arith.muli %add3A, %mul3A_1 : i32
    %jit3A = arith.constant 32 : i32
    %div3A = arith.divsi %mul3A_2, %jit3A : i32
    %sign3A = arith.constant 0 : i32
    %sign3A_3 = arith.cmpi sgt, %mul3A_2, %sign3A : i32
    %sign3A_4 = arith.extui %sign3A_3 : i1 to i32
    %sign3A_5 = arith.constant 0 : i32
    %sign3A_6 = arith.cmpi slt, %mul3A_2, %sign3A_5 : i32
    %sign3A_7 = arith.extui %sign3A_6 : i1 to i32
    %sign3A_8 = arith.subi %sign3A_4, %sign3A_7 : i32
    %sign3A_9 = arith.constant 0 : i32
    %sign3A_10 = arith.cmpi sgt, %jit3A, %sign3A_9 : i32
    %sign3A_11 = arith.extui %sign3A_10 : i1 to i32
    %sign3A_12 = arith.constant 0 : i32
    %sign3A_13 = arith.cmpi slt, %jit3A, %sign3A_12 : i32
    %sign3A_14 = arith.extui %sign3A_13 : i1 to i32
    %sign3A_15 = arith.subi %sign3A_11, %sign3A_14 : i32
    %ne3A = arith.cmpi ne, %sign3A_8, %sign3A_15 : i32
    %rem3A = arith.remsi %mul3A_2, %jit3A : i32
    %ne3A_16 = arith.constant 0 : i32
    %ne3A_17 = arith.cmpi ne, %rem3A, %ne3A_16 : i32
    %and3A = arith.andi %ne3A, %ne3A_17 : i1
    %sub3A = arith.constant 1 : i32
    %sub3A_18 = arith.subi %div3A, %sub3A : i32
    %select_n3A = arith.select %and3A, %sub3A_18, %div3A : i32
    %dma_start3A = arith.constant 0 : i32
    %dma_start3A_19 = tpu.memref_slice %arg2[%add3A, %dma_start3A] : memref<32x40000xf32, #tpu.memory_space<hbm>> -> memref<1x40000xf32, #tpu.memory_space<hbm>>
    %dma_start3A_20 = tpu.memref_squeeze %dma_start3A_19 : memref<1x40000xf32, #tpu.memory_space<hbm>> -> memref<40000xf32, #tpu.memory_space<hbm>>
    %dma_start3A_21 = arith.constant 0 : i32
    %dma_start3A_22 = tpu.memref_slice %arg2[%add3A, %dma_start3A_21] : memref<32x40000xf32, #tpu.memory_space<hbm>> -> memref<1x40000xf32, #tpu.memory_space<hbm>>
    %dma_start3A_23 = tpu.memref_squeeze %dma_start3A_22 : memref<1x40000xf32, #tpu.memory_space<hbm>> -> memref<40000xf32, #tpu.memory_space<hbm>>
    tpu.enqueue_dma source(%dma_start3A_23 : memref<40000xf32, #tpu.memory_space<hbm>>) target(%arg6 : memref<40000xf32, #tpu.memory_space<vmem>>) target_semaphore(%arg11 : memref<!tpu.dma_semaphore, #tpu.memory_space<semaphore_mem>>)
    %add3A_24 = arith.constant 0 : i32
    %add3A_25 = arith.addi %select_n3A, %add3A_24 : i32
    %ge3A = arith.constant 20 : i32
    %ge3A_26 = arith.cmpi sge, %add3A_25, %ge3A : i32
    %sub3A_27 = arith.constant 20 : i32
    %sub3A_28 = arith.subi %add3A_25, %sub3A_27 : i32
    %select_n3A_29 = arith.select %ge3A_26, %sub3A_28, %add3A_25 : i32
    %mul3A_30 = arith.constant 16000 : i32
    %mul3A_31 = arith.muli %select_n3A_29, %mul3A_30 : i32
    %dma_start3A_32 = tpu.memref_slice %arg3[%mul3A_31] : memref<320000xi32, #tpu.memory_space<hbm>> -> memref<16000xi32, #tpu.memory_space<hbm>>
    %dma_start3A_33 = tpu.memref_slice %arg3[%mul3A_31] : memref<320000xi32, #tpu.memory_space<hbm>> -> memref<16000xi32, #tpu.memory_space<hbm>>
    tpu.enqueue_dma source(%dma_start3A_33 : memref<16000xi32, #tpu.memory_space<hbm>>) target(%arg9 : memref<16000xi32, #tpu.memory_space<vmem>>) target_semaphore(%arg12 : memref<!tpu.dma_semaphore, #tpu.memory_space<semaphore_mem>>)
    %broadcast_in_dim3A = arith.constant 0.000000e+00 : f32
    %broadcast_in_dim3A_34 = vector.broadcast %broadcast_in_dim3A : f32 to vector<16xf32>
    %broadcast_in_dim3A_35 = arith.constant 1.000000e+00 : f32
    %broadcast_in_dim3A_36 = vector.broadcast %broadcast_in_dim3A_35 : f32 to vector<16xf32>
    %parallel_loop3A = arith.constant 0 : i32
    %parallel_loop3A_37 = arith.constant 2500 : i32
    %parallel_loop3A_38 = arith.constant 1 : i32
    scf.for %parallel_loop3A_57 = %parallel_loop3A to %parallel_loop3A_37 step %parallel_loop3A_38  : i32 {
      %parallel_loop3A_58 = arith.constant 16 : i32
      %parallel_loop3A_59 = arith.muli %parallel_loop3A_57, %parallel_loop3A_58 : i32
      %parallel_loop3A_60 = arith.index_cast %parallel_loop3A_59 : i32 to index
      %parallel_loop3A_61 = tpu.vector_load %arg7[%parallel_loop3A_60] {strides = array<i32>} : memref<40000xf32, #tpu.memory_space<vmem>>, vector<16xf32>,
      tpu.vector_store %arg7[%parallel_loop3A_60], %broadcast_in_dim3A_34 {strides = array<i32>} : memref<40000xf32, #tpu.memory_space<vmem>>, vector<16xf32>,
    } {sc.loop_unroll_factor = 4 : i64, sc.parallel_access}
    %parallel_loop3A_39 = arith.constant 0 : i32
    %parallel_loop3A_40 = arith.constant 625 : i32
    %parallel_loop3A_41 = arith.constant 1 : i32
    scf.for %parallel_loop3A_57 = %parallel_loop3A_39 to %parallel_loop3A_40 step %parallel_loop3A_41  : i32 {
      %parallel_loop3A_58 = arith.constant 16 : i32
      %parallel_loop3A_59 = arith.muli %parallel_loop3A_57, %parallel_loop3A_58 : i32
      %parallel_loop3A_60 = arith.index_cast %parallel_loop3A_59 : i32 to index
      %parallel_loop3A_61 = tpu.vector_load %arg8[%parallel_loop3A_60] {strides = array<i32>} : memref<10000xf32, #tpu.memory_space<vmem>>, vector<16xf32>,
      tpu.vector_store %arg8[%parallel_loop3A_60], %broadcast_in_dim3A_34 {strides = array<i32>} : memref<10000xf32, #tpu.memory_space<vmem>>, vector<16xf32>,
    } {sc.loop_unroll_factor = 4 : i64, sc.parallel_access}
    %dma_wait3A = arith.constant 0 : i32
    %dma_wait3A_42 = tpu.memref_slice %arg2[%add3A, %dma_wait3A] : memref<32x40000xf32, #tpu.memory_space<hbm>> -> memref<1x40000xf32, #tpu.memory_space<hbm>>
    %dma_wait3A_43 = tpu.memref_squeeze %dma_wait3A_42 : memref<1x40000xf32, #tpu.memory_space<hbm>> -> memref<40000xf32, #tpu.memory_space<hbm>>
    %dma_wait3A_44 = arith.constant 0 : i32
    %dma_wait3A_45 = tpu.memref_slice %arg2[%add3A, %dma_wait3A_44] : memref<32x40000xf32, #tpu.memory_space<hbm>> -> memref<1x40000xf32, #tpu.memory_space<hbm>>
    %dma_wait3A_46 = tpu.memref_squeeze %dma_wait3A_45 : memref<1x40000xf32, #tpu.memory_space<hbm>> -> memref<40000xf32, #tpu.memory_space<hbm>>
    tpu.wait_dma2 semaphore(%arg11 : memref<!tpu.dma_semaphore, #tpu.memory_space<semaphore_mem>>) src(%dma_wait3A_46 : memref<40000xf32, #tpu.memory_space<hbm>>) dst(%arg6 : memref<40000xf32, #tpu.memory_space<vmem>>)
    %scan3A = arith.constant 0 : i32
    %scan3A_47 = arith.constant 10 : i32
    %scan3A_48 = arith.addi %scan3A, %scan3A_47 : i32
    %scan3A_49 = arith.constant 1 : i32
    scf.for %scan3A_57 = %scan3A to %scan3A_48 step %scan3A_49  : i32 {
      %mul3A_58 = arith.constant 2 : i32
      %mul3A_59 = arith.muli %mul3A_58, %scan3A_57 : i32
      %add3A_60 = arith.constant 1 : i32
      %add3A_61 = arith.addi %mul3A_59, %add3A_60 : i32
      %add3A_62 = arith.addi %select_n3A, %add3A_61 : i32
      %ge3A_63 = arith.constant 20 : i32
      %ge3A_64 = arith.cmpi sge, %add3A_62, %ge3A_63 : i32
      %sub3A_65 = arith.constant 20 : i32
      %sub3A_66 = arith.subi %add3A_62, %sub3A_65 : i32
      %select_n3A_67 = arith.select %ge3A_64, %sub3A_66, %add3A_62 : i32
      %mul3A_68 = arith.constant 16000 : i32
      %mul3A_69 = arith.muli %select_n3A_67, %mul3A_68 : i32
      %dma_start3A_70 = tpu.memref_slice %arg3[%mul3A_69] : memref<320000xi32, #tpu.memory_space<hbm>> -> memref<16000xi32, #tpu.memory_space<hbm>>
      %dma_start3A_71 = tpu.memref_slice %arg3[%mul3A_69] : memref<320000xi32, #tpu.memory_space<hbm>> -> memref<16000xi32, #tpu.memory_space<hbm>>
      tpu.enqueue_dma source(%dma_start3A_71 : memref<16000xi32, #tpu.memory_space<hbm>>) target(%arg10 : memref<16000xi32, #tpu.memory_space<vmem>>) target_semaphore(%arg13 : memref<!tpu.dma_semaphore, #tpu.memory_space<semaphore_mem>>)
      %dma_wait3A_72 = arith.constant 0 : i32
      %dma_wait3A_73 = tpu.memref_slice %arg3[%dma_wait3A_72] : memref<320000xi32, #tpu.memory_space<hbm>> -> memref<16000xi32, #tpu.memory_space<hbm>>
      %dma_wait3A_74 = arith.constant 0 : i32
      %dma_wait3A_75 = tpu.memref_slice %arg3[%dma_wait3A_74] : memref<320000xi32, #tpu.memory_space<hbm>> -> memref<16000xi32, #tpu.memory_space<hbm>>
      tpu.wait_dma2 semaphore(%arg12 : memref<!tpu.dma_semaphore, #tpu.memory_space<semaphore_mem>>) src(%dma_wait3A_75 : memref<16000xi32, #tpu.memory_space<hbm>>) dst(%arg9 : memref<16000xi32, #tpu.memory_space<vmem>>)
      %parallel_loop3A_76 = arith.constant 0 : i32
      %parallel_loop3A_77 = arith.constant 1000 : i32
      %parallel_loop3A_78 = arith.constant 1 : i32
      scf.for %parallel_loop3A_100 = %parallel_loop3A_76 to %parallel_loop3A_77 step %parallel_loop3A_78  : i32 {
        %parallel_loop3A_101 = arith.constant 16 : i32
        %parallel_loop3A_102 = arith.muli %parallel_loop3A_100, %parallel_loop3A_101 : i32
        %parallel_loop3A_103 = arith.index_cast %parallel_loop3A_102 : i32 to index
        %parallel_loop3A_104 = tpu.vector_load %arg9[%parallel_loop3A_103] {strides = array<i32>} : memref<16000xi32, #tpu.memory_space<vmem>>, vector<16xi32>,
        %parallel_loop3A_105 = arith.constant 65535 : i32
        %parallel_loop3A_106 = vector.broadcast %parallel_loop3A_105 : i32 to vector<16xi32>
        %parallel_loop3A_107 = arith.andi %parallel_loop3A_104, %parallel_loop3A_106 : vector<16xi32>
        %parallel_loop3A_108 = arith.constant 16 : i32
        %parallel_loop3A_109 = vector.broadcast %parallel_loop3A_108 : i32 to vector<16xi32>
        %parallel_loop3A_110 = arith.shrui %parallel_loop3A_104, %parallel_loop3A_109 : vector<16xi32>
        %parallel_loop3A_111 = arith.constant 0 : i32
        %parallel_loop3A_112 = vector.broadcast %parallel_loop3A_111 : i32 to vector<16xi32>
        %parallel_loop3A_113 = arith.addi %parallel_loop3A_107, %parallel_loop3A_112 : vector<16xi32>
        %parallel_loop3A_114 = tpu.vector_load_idx %arg6[%parallel_loop3A_113] : memref<40000xf32, #tpu.memory_space<vmem>>[vector<16xi32>], vector<16xf32>,
        %parallel_loop3A_115 = arith.constant 0 : i32
        %parallel_loop3A_116 = vector.broadcast %parallel_loop3A_115 : i32 to vector<16xi32>
        %parallel_loop3A_117 = arith.addi %parallel_loop3A_110, %parallel_loop3A_116 : vector<16xi32>
        tpu.vector_store_idx %arg7[%parallel_loop3A_117], %parallel_loop3A_114 {add = true} : memref<40000xf32, #tpu.memory_space<vmem>>[vector<16xi32>], vector<16xf32>,
        %parallel_loop3A_118 = arith.constant 10000 : i32
        %parallel_loop3A_119 = vector.broadcast %parallel_loop3A_118 : i32 to vector<16xi32>
        %parallel_loop3A_120 = arith.addi %parallel_loop3A_107, %parallel_loop3A_119 : vector<16xi32>
        %parallel_loop3A_121 = tpu.vector_load_idx %arg6[%parallel_loop3A_120] : memref<40000xf32, #tpu.memory_space<vmem>>[vector<16xi32>], vector<16xf32>,
        %parallel_loop3A_122 = arith.constant 10000 : i32
        %parallel_loop3A_123 = vector.broadcast %parallel_loop3A_122 : i32 to vector<16xi32>
        %parallel_loop3A_124 = arith.addi %parallel_loop3A_110, %parallel_loop3A_123 : vector<16xi32>
        tpu.vector_store_idx %arg7[%parallel_loop3A_124], %parallel_loop3A_121 {add = true} : memref<40000xf32, #tpu.memory_space<vmem>>[vector<16xi32>], vector<16xf32>,
        %parallel_loop3A_125 = arith.constant 20000 : i32
        %parallel_loop3A_126 = vector.broadcast %parallel_loop3A_125 : i32 to vector<16xi32>
        %parallel_loop3A_127 = arith.addi %parallel_loop3A_107, %parallel_loop3A_126 : vector<16xi32>
        %parallel_loop3A_128 = tpu.vector_load_idx %arg6[%parallel_loop3A_127] : memref<40000xf32, #tpu.memory_space<vmem>>[vector<16xi32>], vector<16xf32>,
        %parallel_loop3A_129 = arith.constant 20000 : i32
        %parallel_loop3A_130 = vector.broadcast %parallel_loop3A_129 : i32 to vector<16xi32>
        %parallel_loop3A_131 = arith.addi %parallel_loop3A_110, %parallel_loop3A_130 : vector<16xi32>
        tpu.vector_store_idx %arg7[%parallel_loop3A_131], %parallel_loop3A_128 {add = true} : memref<40000xf32, #tpu.memory_space<vmem>>[vector<16xi32>], vector<16xf32>,
        %parallel_loop3A_132 = arith.constant 30000 : i32
        %parallel_loop3A_133 = vector.broadcast %parallel_loop3A_132 : i32 to vector<16xi32>
        %parallel_loop3A_134 = arith.addi %parallel_loop3A_107, %parallel_loop3A_133 : vector<16xi32>
        %parallel_loop3A_135 = tpu.vector_load_idx %arg6[%parallel_loop3A_134] : memref<40000xf32, #tpu.memory_space<vmem>>[vector<16xi32>], vector<16xf32>,
        %parallel_loop3A_136 = arith.constant 30000 : i32
        %parallel_loop3A_137 = vector.broadcast %parallel_loop3A_136 : i32 to vector<16xi32>
        %parallel_loop3A_138 = arith.addi %parallel_loop3A_110, %parallel_loop3A_137 : vector<16xi32>
        tpu.vector_store_idx %arg7[%parallel_loop3A_138], %parallel_loop3A_135 {add = true} : memref<40000xf32, #tpu.memory_space<vmem>>[vector<16xi32>], vector<16xf32>,
        tpu.vector_store_idx %arg8[%parallel_loop3A_110], %broadcast_in_dim3A_36 {add = true} : memref<10000xf32, #tpu.memory_space<vmem>>[vector<16xi32>], vector<16xf32>,
      } {sc.loop_unroll_factor = 4 : i64, sc.parallel_access}
      %mul3A_79 = arith.constant 2 : i32
      %mul3A_80 = arith.muli %mul3A_79, %scan3A_57 : i32
      %add3A_81 = arith.constant 2 : i32
      %add3A_82 = arith.addi %mul3A_80, %add3A_81 : i32
      %add3A_83 = arith.addi %select_n3A, %add3A_82 : i32
      %ge3A_84 = arith.constant 20 : i32
      %ge3A_85 = arith.cmpi sge, %add3A_83, %ge3A_84 : i32
      %sub3A_86 = arith.constant 20 : i32
      %sub3A_87 = arith.subi %add3A_83, %sub3A_86 : i32
      %select_n3A_88 = arith.select %ge3A_85, %sub3A_87, %add3A_83 : i32
      %mul3A_89 = arith.constant 16000 : i32
      %mul3A_90 = arith.muli %select_n3A_88, %mul3A_89 : i32
      %dma_start3A_91 = tpu.memref_slice %arg3[%mul3A_90] : memref<320000xi32, #tpu.memory_space<hbm>> -> memref<16000xi32, #tpu.memory_space<hbm>>
      %dma_start3A_92 = tpu.memref_slice %arg3[%mul3A_90] : memref<320000xi32, #tpu.memory_space<hbm>> -> memref<16000xi32, #tpu.memory_space<hbm>>
      tpu.enqueue_dma source(%dma_start3A_92 : memref<16000xi32, #tpu.memory_space<hbm>>) target(%arg9 : memref<16000xi32, #tpu.memory_space<vmem>>) target_semaphore(%arg12 : memref<!tpu.dma_semaphore, #tpu.memory_space<semaphore_mem>>)
      %dma_wait3A_93 = arith.constant 0 : i32
      %dma_wait3A_94 = tpu.memref_slice %arg3[%dma_wait3A_93] : memref<320000xi32, #tpu.memory_space<hbm>> -> memref<16000xi32, #tpu.memory_space<hbm>>
      %dma_wait3A_95 = arith.constant 0 : i32
      %dma_wait3A_96 = tpu.memref_slice %arg3[%dma_wait3A_95] : memref<320000xi32, #tpu.memory_space<hbm>> -> memref<16000xi32, #tpu.memory_space<hbm>>
      tpu.wait_dma2 semaphore(%arg13 : memref<!tpu.dma_semaphore, #tpu.memory_space<semaphore_mem>>) src(%dma_wait3A_96 : memref<16000xi32, #tpu.memory_space<hbm>>) dst(%arg10 : memref<16000xi32, #tpu.memory_space<vmem>>)
      %parallel_loop3A_97 = arith.constant 0 : i32
      %parallel_loop3A_98 = arith.constant 1000 : i32
      %parallel_loop3A_99 = arith.constant 1 : i32
      scf.for %parallel_loop3A_100 = %parallel_loop3A_97 to %parallel_loop3A_98 step %parallel_loop3A_99  : i32 {
        %parallel_loop3A_101 = arith.constant 16 : i32
        %parallel_loop3A_102 = arith.muli %parallel_loop3A_100, %parallel_loop3A_101 : i32
        %parallel_loop3A_103 = arith.index_cast %parallel_loop3A_102 : i32 to index
        %parallel_loop3A_104 = tpu.vector_load %arg10[%parallel_loop3A_103] {strides = array<i32>} : memref<16000xi32, #tpu.memory_space<vmem>>, vector<16xi32>,
        %parallel_loop3A_105 = arith.constant 65535 : i32
        %parallel_loop3A_106 = vector.broadcast %parallel_loop3A_105 : i32 to vector<16xi32>
        %parallel_loop3A_107 = arith.andi %parallel_loop3A_104, %parallel_loop3A_106 : vector<16xi32>
        %parallel_loop3A_108 = arith.constant 16 : i32
        %parallel_loop3A_109 = vector.broadcast %parallel_loop3A_108 : i32 to vector<16xi32>
        %parallel_loop3A_110 = arith.shrui %parallel_loop3A_104, %parallel_loop3A_109 : vector<16xi32>
        %parallel_loop3A_111 = arith.constant 0 : i32
        %parallel_loop3A_112 = vector.broadcast %parallel_loop3A_111 : i32 to vector<16xi32>
        %parallel_loop3A_113 = arith.addi %parallel_loop3A_107, %parallel_loop3A_112 : vector<16xi32>
        %parallel_loop3A_114 = tpu.vector_load_idx %arg6[%parallel_loop3A_113] : memref<40000xf32, #tpu.memory_space<vmem>>[vector<16xi32>], vector<16xf32>,
        %parallel_loop3A_115 = arith.constant 0 : i32
        %parallel_loop3A_116 = vector.broadcast %parallel_loop3A_115 : i32 to vector<16xi32>
        %parallel_loop3A_117 = arith.addi %parallel_loop3A_110, %parallel_loop3A_116 : vector<16xi32>
        tpu.vector_store_idx %arg7[%parallel_loop3A_117], %parallel_loop3A_114 {add = true} : memref<40000xf32, #tpu.memory_space<vmem>>[vector<16xi32>], vector<16xf32>,
        %parallel_loop3A_118 = arith.constant 10000 : i32
        %parallel_loop3A_119 = vector.broadcast %parallel_loop3A_118 : i32 to vector<16xi32>
        %parallel_loop3A_120 = arith.addi %parallel_loop3A_107, %parallel_loop3A_119 : vector<16xi32>
        %parallel_loop3A_121 = tpu.vector_load_idx %arg6[%parallel_loop3A_120] : memref<40000xf32, #tpu.memory_space<vmem>>[vector<16xi32>], vector<16xf32>,
        %parallel_loop3A_122 = arith.constant 10000 : i32
        %parallel_loop3A_123 = vector.broadcast %parallel_loop3A_122 : i32 to vector<16xi32>
        %parallel_loop3A_124 = arith.addi %parallel_loop3A_110, %parallel_loop3A_123 : vector<16xi32>
        tpu.vector_store_idx %arg7[%parallel_loop3A_124], %parallel_loop3A_121 {add = true} : memref<40000xf32, #tpu.memory_space<vmem>>[vector<16xi32>], vector<16xf32>,
        %parallel_loop3A_125 = arith.constant 20000 : i32
        %parallel_loop3A_126 = vector.broadcast %parallel_loop3A_125 : i32 to vector<16xi32>
        %parallel_loop3A_127 = arith.addi %parallel_loop3A_107, %parallel_loop3A_126 : vector<16xi32>
        %parallel_loop3A_128 = tpu.vector_load_idx %arg6[%parallel_loop3A_127] : memref<40000xf32, #tpu.memory_space<vmem>>[vector<16xi32>], vector<16xf32>,
        %parallel_loop3A_129 = arith.constant 20000 : i32
        %parallel_loop3A_130 = vector.broadcast %parallel_loop3A_129 : i32 to vector<16xi32>
        %parallel_loop3A_131 = arith.addi %parallel_loop3A_110, %parallel_loop3A_130 : vector<16xi32>
        tpu.vector_store_idx %arg7[%parallel_loop3A_131], %parallel_loop3A_128 {add = true} : memref<40000xf32, #tpu.memory_space<vmem>>[vector<16xi32>], vector<16xf32>,
        %parallel_loop3A_132 = arith.constant 30000 : i32
        %parallel_loop3A_133 = vector.broadcast %parallel_loop3A_132 : i32 to vector<16xi32>
        %parallel_loop3A_134 = arith.addi %parallel_loop3A_107, %parallel_loop3A_133 : vector<16xi32>
        %parallel_loop3A_135 = tpu.vector_load_idx %arg6[%parallel_loop3A_134] : memref<40000xf32, #tpu.memory_space<vmem>>[vector<16xi32>], vector<16xf32>,
        %parallel_loop3A_136 = arith.constant 30000 : i32
        %parallel_loop3A_137 = vector.broadcast %parallel_loop3A_136 : i32 to vector<16xi32>
        %parallel_loop3A_138 = arith.addi %parallel_loop3A_110, %parallel_loop3A_137 : vector<16xi32>
        tpu.vector_store_idx %arg7[%parallel_loop3A_138], %parallel_loop3A_135 {add = true} : memref<40000xf32, #tpu.memory_space<vmem>>[vector<16xi32>], vector<16xf32>,
        tpu.vector_store_idx %arg8[%parallel_loop3A_110], %broadcast_in_dim3A_36 {add = true} : memref<10000xf32, #tpu.memory_space<vmem>>[vector<16xi32>], vector<16xf32>,
      } {sc.loop_unroll_factor = 4 : i64, sc.parallel_access}
    }
    %scan3A_50 = arith.constant 10 : i32
    %dma_wait3A_51 = arith.constant 0 : i32
    %dma_wait3A_52 = tpu.memref_slice %arg3[%dma_wait3A_51] : memref<320000xi32, #tpu.memory_space<hbm>> -> memref<16000xi32, #tpu.memory_space<hbm>>
    %dma_wait3A_53 = arith.constant 0 : i32
    %dma_wait3A_54 = tpu.memref_slice %arg3[%dma_wait3A_53] : memref<320000xi32, #tpu.memory_space<hbm>> -> memref<16000xi32, #tpu.memory_space<hbm>>
    tpu.wait_dma2 semaphore(%arg12 : memref<!tpu.dma_semaphore, #tpu.memory_space<semaphore_mem>>) src(%dma_wait3A_54 : memref<16000xi32, #tpu.memory_space<hbm>>) dst(%arg9 : memref<16000xi32, #tpu.memory_space<vmem>>)
    "tpu.region"() ({
      %run_scoped3A = tpu.sem_alloc : memref<!tpu.dma_semaphore, #tpu.memory_space<semaphore_mem>>
      %dma_start3A_57 = arith.constant 0 : i32
      %dma_start3A_58 = tpu.memref_slice %arg4[%add3A, %dma_start3A_57] : memref<32x40000xf32, #tpu.memory_space<hbm>> -> memref<1x40000xf32, #tpu.memory_space<hbm>>
      %dma_start3A_59 = tpu.memref_squeeze %dma_start3A_58 : memref<1x40000xf32, #tpu.memory_space<hbm>> -> memref<40000xf32, #tpu.memory_space<hbm>>
      %dma_start3A_60 = arith.constant 0 : i32
      %dma_start3A_61 = tpu.memref_slice %arg4[%add3A, %dma_start3A_60] : memref<32x40000xf32, #tpu.memory_space<hbm>> -> memref<1x40000xf32, #tpu.memory_space<hbm>>
      %dma_start3A_62 = tpu.memref_squeeze %dma_start3A_61 : memref<1x40000xf32, #tpu.memory_space<hbm>> -> memref<40000xf32, #tpu.memory_space<hbm>>
      tpu.enqueue_dma source(%arg7 : memref<40000xf32, #tpu.memory_space<vmem>>) target(%dma_start3A_62 : memref<40000xf32, #tpu.memory_space<hbm>>) target_semaphore(%run_scoped3A : memref<!tpu.dma_semaphore, #tpu.memory_space<semaphore_mem>>)
      %dma_wait3A_63 = arith.constant 0 : i32
      %dma_wait3A_64 = tpu.memref_slice %arg4[%add3A, %dma_wait3A_63] : memref<32x40000xf32, #tpu.memory_space<hbm>> -> memref<1x40000xf32, #tpu.memory_space<hbm>>
      %dma_wait3A_65 = tpu.memref_squeeze %dma_wait3A_64 : memref<1x40000xf32, #tpu.memory_space<hbm>> -> memref<40000xf32, #tpu.memory_space<hbm>>
      %dma_wait3A_66 = arith.constant 0 : i32
      %dma_wait3A_67 = tpu.memref_slice %arg4[%add3A, %dma_wait3A_66] : memref<32x40000xf32, #tpu.memory_space<hbm>> -> memref<1x40000xf32, #tpu.memory_space<hbm>>
      %dma_wait3A_68 = tpu.memref_squeeze %dma_wait3A_67 : memref<1x40000xf32, #tpu.memory_space<hbm>> -> memref<40000xf32, #tpu.memory_space<hbm>>
      tpu.wait_dma2 semaphore(%run_scoped3A : memref<!tpu.dma_semaphore, #tpu.memory_space<semaphore_mem>>) src(%arg7 : memref<40000xf32, #tpu.memory_space<vmem>>) dst(%dma_wait3A_68 : memref<40000xf32, #tpu.memory_space<hbm>>)
      tpu.yield
    }) : () -> ()
    %eq3A = arith.constant 0 : i32
    %eq3A_55 = arith.cmpi eq, %add3A, %eq3A : i32
    %convert_element_type3A = arith.extui %eq3A_55 : i1 to i32
    %cond3A = arith.constant 0 : i32
    %cond3A_56 = arith.cmpi ne, %convert_element_type3A, %cond3A : i32
    scf.if %cond3A_56 {
      "tpu.region"() ({
        %run_scoped3A = tpu.sem_alloc : memref<!tpu.dma_semaphore, #tpu.memory_space<semaphore_mem>>
        tpu.enqueue_dma source(%arg8 : memref<10000xf32, #tpu.memory_space<vmem>>) target(%arg5 : memref<10000xf32, #tpu.memory_space<hbm>>) target_semaphore(%run_scoped3A : memref<!tpu.dma_semaphore, #tpu.memory_space<semaphore_mem>>)
        tpu.wait_dma2 semaphore(%run_scoped3A : memref<!tpu.dma_semaphore, #tpu.memory_space<semaphore_mem>>) src(%arg8 : memref<10000xf32, #tpu.memory_space<vmem>>) dst(%arg5 : memref<10000xf32, #tpu.memory_space<hbm>>)
        tpu.yield
      }) : () -> ()
    } else {
    }
    return
  }
}

#map = affine_map<(d0, d1) -> (0, 0)>
#map1 = affine_map<(d0, d1) -> (0)>
module attributes {stable_mosaic.version = 14 : i64} {
  func.func @body(%arg0: i32, %arg1: i32, %arg2: memref<32x40000xf32, #tpu.memory_space<hbm>>, %arg3: memref<320000xi32, #tpu.memory_space<hbm>>, %arg4: memref<32x40000xf32, #tpu.memory_space<hbm>>, %arg5: memref<40000xf32, #tpu.memory_space<vmem>>, %arg6: memref<40000xf32, #tpu.memory_space<vmem>>, %arg7: memref<16000xi32, #tpu.memory_space<vmem>>, %arg8: memref<16000xi32, #tpu.memory_space<vmem>>, %arg9: memref<!tpu.dma_semaphore, #tpu.memory_space<semaphore_mem>>, %arg10: memref<!tpu.dma_semaphore, #tpu.memory_space<semaphore_mem>>, %arg11: memref<!tpu.dma_semaphore, #tpu.memory_space<semaphore_mem>>) attributes {dimension_semantics = [#tpu.dimension_semantics<core_parallel>, #tpu.dimension_semantics<subcore_parallel>], iteration_bounds = array<i64: 2, 16>, scalar_prefetch = 0 : i64, scratch_operands = 7 : i64, tpu.core_type = #tpu.core_type<sc_vector_subcore>, window_params = [{transform_indices = #map}, {transform_indices = #map1}, {transform_indices = #map}]} {
    %mul3A = arith.constant 2 : i32
    %mul3A_0 = arith.muli %arg1, %mul3A : i32
    %add3A = arith.addi %mul3A_0, %arg0 : i32
    %mul3A_1 = arith.constant 20 : i32
    %mul3A_2 = arith.muli %add3A, %mul3A_1 : i32
    %jit3A = arith.constant 32 : i32
    %div3A = arith.divsi %mul3A_2, %jit3A : i32
    %sign3A = arith.constant 0 : i32
    %sign3A_3 = arith.cmpi sgt, %mul3A_2, %sign3A : i32
    %sign3A_4 = arith.extui %sign3A_3 : i1 to i32
    %sign3A_5 = arith.constant 0 : i32
    %sign3A_6 = arith.cmpi slt, %mul3A_2, %sign3A_5 : i32
    %sign3A_7 = arith.extui %sign3A_6 : i1 to i32
    %sign3A_8 = arith.subi %sign3A_4, %sign3A_7 : i32
    %sign3A_9 = arith.constant 0 : i32
    %sign3A_10 = arith.cmpi sgt, %jit3A, %sign3A_9 : i32
    %sign3A_11 = arith.extui %sign3A_10 : i1 to i32
    %sign3A_12 = arith.constant 0 : i32
    %sign3A_13 = arith.cmpi slt, %jit3A, %sign3A_12 : i32
    %sign3A_14 = arith.extui %sign3A_13 : i1 to i32
    %sign3A_15 = arith.subi %sign3A_11, %sign3A_14 : i32
    %ne3A = arith.cmpi ne, %sign3A_8, %sign3A_15 : i32
    %rem3A = arith.remsi %mul3A_2, %jit3A : i32
    %ne3A_16 = arith.constant 0 : i32
    %ne3A_17 = arith.cmpi ne, %rem3A, %ne3A_16 : i32
    %and3A = arith.andi %ne3A, %ne3A_17 : i1
    %sub3A = arith.constant 1 : i32
    %sub3A_18 = arith.subi %div3A, %sub3A : i32
    %select_n3A = arith.select %and3A, %sub3A_18, %div3A : i32
    %dma_start3A = arith.constant 0 : i32
    %dma_start3A_19 = tpu.memref_slice %arg2[%add3A, %dma_start3A] : memref<32x40000xf32, #tpu.memory_space<hbm>> -> memref<1x40000xf32, #tpu.memory_space<hbm>>
    %dma_start3A_20 = tpu.memref_squeeze %dma_start3A_19 : memref<1x40000xf32, #tpu.memory_space<hbm>> -> memref<40000xf32, #tpu.memory_space<hbm>>
    %dma_start3A_21 = arith.constant 0 : i32
    %dma_start3A_22 = tpu.memref_slice %arg2[%add3A, %dma_start3A_21] : memref<32x40000xf32, #tpu.memory_space<hbm>> -> memref<1x40000xf32, #tpu.memory_space<hbm>>
    %dma_start3A_23 = tpu.memref_squeeze %dma_start3A_22 : memref<1x40000xf32, #tpu.memory_space<hbm>> -> memref<40000xf32, #tpu.memory_space<hbm>>
    tpu.enqueue_dma source(%dma_start3A_23 : memref<40000xf32, #tpu.memory_space<hbm>>) target(%arg5 : memref<40000xf32, #tpu.memory_space<vmem>>) target_semaphore(%arg9 : memref<!tpu.dma_semaphore, #tpu.memory_space<semaphore_mem>>)
    %add3A_24 = arith.constant 0 : i32
    %add3A_25 = arith.addi %select_n3A, %add3A_24 : i32
    %ge3A = arith.constant 20 : i32
    %ge3A_26 = arith.cmpi sge, %add3A_25, %ge3A : i32
    %sub3A_27 = arith.constant 20 : i32
    %sub3A_28 = arith.subi %add3A_25, %sub3A_27 : i32
    %select_n3A_29 = arith.select %ge3A_26, %sub3A_28, %add3A_25 : i32
    %mul3A_30 = arith.constant 16000 : i32
    %mul3A_31 = arith.muli %select_n3A_29, %mul3A_30 : i32
    %dma_start3A_32 = tpu.memref_slice %arg3[%mul3A_31] : memref<320000xi32, #tpu.memory_space<hbm>> -> memref<16000xi32, #tpu.memory_space<hbm>>
    %dma_start3A_33 = tpu.memref_slice %arg3[%mul3A_31] : memref<320000xi32, #tpu.memory_space<hbm>> -> memref<16000xi32, #tpu.memory_space<hbm>>
    tpu.enqueue_dma source(%dma_start3A_33 : memref<16000xi32, #tpu.memory_space<hbm>>) target(%arg7 : memref<16000xi32, #tpu.memory_space<vmem>>) target_semaphore(%arg10 : memref<!tpu.dma_semaphore, #tpu.memory_space<semaphore_mem>>)
    %broadcast_in_dim3A = arith.constant 0.000000e+00 : f32
    %broadcast_in_dim3A_34 = vector.broadcast %broadcast_in_dim3A : f32 to vector<16xf32>
    %broadcast_in_dim3A_35 = arith.constant 1.000000e+00 : f32
    %broadcast_in_dim3A_36 = vector.broadcast %broadcast_in_dim3A_35 : f32 to vector<16xf32>
    %parallel_loop3A = arith.constant 0 : i32
    %parallel_loop3A_37 = arith.constant 2500 : i32
    %parallel_loop3A_38 = arith.constant 1 : i32
    scf.for %parallel_loop3A_52 = %parallel_loop3A to %parallel_loop3A_37 step %parallel_loop3A_38  : i32 {
      %parallel_loop3A_53 = arith.constant 16 : i32
      %parallel_loop3A_54 = arith.muli %parallel_loop3A_52, %parallel_loop3A_53 : i32
      %parallel_loop3A_55 = arith.index_cast %parallel_loop3A_54 : i32 to index
      %parallel_loop3A_56 = tpu.vector_load %arg6[%parallel_loop3A_55] {strides = array<i32>} : memref<40000xf32, #tpu.memory_space<vmem>>, vector<16xf32>,
      tpu.vector_store %arg6[%parallel_loop3A_55], %broadcast_in_dim3A_34 {strides = array<i32>} : memref<40000xf32, #tpu.memory_space<vmem>>, vector<16xf32>,
    } {sc.loop_unroll_factor = 4 : i64, sc.parallel_access}
    %dma_wait3A = arith.constant 0 : i32
    %dma_wait3A_39 = tpu.memref_slice %arg2[%add3A, %dma_wait3A] : memref<32x40000xf32, #tpu.memory_space<hbm>> -> memref<1x40000xf32, #tpu.memory_space<hbm>>
    %dma_wait3A_40 = tpu.memref_squeeze %dma_wait3A_39 : memref<1x40000xf32, #tpu.memory_space<hbm>> -> memref<40000xf32, #tpu.memory_space<hbm>>
    %dma_wait3A_41 = arith.constant 0 : i32
    %dma_wait3A_42 = tpu.memref_slice %arg2[%add3A, %dma_wait3A_41] : memref<32x40000xf32, #tpu.memory_space<hbm>> -> memref<1x40000xf32, #tpu.memory_space<hbm>>
    %dma_wait3A_43 = tpu.memref_squeeze %dma_wait3A_42 : memref<1x40000xf32, #tpu.memory_space<hbm>> -> memref<40000xf32, #tpu.memory_space<hbm>>
    tpu.wait_dma2 semaphore(%arg9 : memref<!tpu.dma_semaphore, #tpu.memory_space<semaphore_mem>>) src(%dma_wait3A_43 : memref<40000xf32, #tpu.memory_space<hbm>>) dst(%arg5 : memref<40000xf32, #tpu.memory_space<vmem>>)
    %scan3A = arith.constant 0 : i32
    %scan3A_44 = arith.constant 10 : i32
    %scan3A_45 = arith.addi %scan3A, %scan3A_44 : i32
    %scan3A_46 = arith.constant 1 : i32
    scf.for %scan3A_52 = %scan3A to %scan3A_45 step %scan3A_46  : i32 {
      %mul3A_53 = arith.constant 2 : i32
      %mul3A_54 = arith.muli %mul3A_53, %scan3A_52 : i32
      %add3A_55 = arith.constant 1 : i32
      %add3A_56 = arith.addi %mul3A_54, %add3A_55 : i32
      %add3A_57 = arith.addi %select_n3A, %add3A_56 : i32
      %ge3A_58 = arith.constant 20 : i32
      %ge3A_59 = arith.cmpi sge, %add3A_57, %ge3A_58 : i32
      %sub3A_60 = arith.constant 20 : i32
      %sub3A_61 = arith.subi %add3A_57, %sub3A_60 : i32
      %select_n3A_62 = arith.select %ge3A_59, %sub3A_61, %add3A_57 : i32
      %mul3A_63 = arith.constant 16000 : i32
      %mul3A_64 = arith.muli %select_n3A_62, %mul3A_63 : i32
      %dma_start3A_65 = tpu.memref_slice %arg3[%mul3A_64] : memref<320000xi32, #tpu.memory_space<hbm>> -> memref<16000xi32, #tpu.memory_space<hbm>>
      %dma_start3A_66 = tpu.memref_slice %arg3[%mul3A_64] : memref<320000xi32, #tpu.memory_space<hbm>> -> memref<16000xi32, #tpu.memory_space<hbm>>
      tpu.enqueue_dma source(%dma_start3A_66 : memref<16000xi32, #tpu.memory_space<hbm>>) target(%arg8 : memref<16000xi32, #tpu.memory_space<vmem>>) target_semaphore(%arg11 : memref<!tpu.dma_semaphore, #tpu.memory_space<semaphore_mem>>)
      %dma_wait3A_67 = arith.constant 0 : i32
      %dma_wait3A_68 = tpu.memref_slice %arg3[%dma_wait3A_67] : memref<320000xi32, #tpu.memory_space<hbm>> -> memref<16000xi32, #tpu.memory_space<hbm>>
      %dma_wait3A_69 = arith.constant 0 : i32
      %dma_wait3A_70 = tpu.memref_slice %arg3[%dma_wait3A_69] : memref<320000xi32, #tpu.memory_space<hbm>> -> memref<16000xi32, #tpu.memory_space<hbm>>
      tpu.wait_dma2 semaphore(%arg10 : memref<!tpu.dma_semaphore, #tpu.memory_space<semaphore_mem>>) src(%dma_wait3A_70 : memref<16000xi32, #tpu.memory_space<hbm>>) dst(%arg7 : memref<16000xi32, #tpu.memory_space<vmem>>)
      %parallel_loop3A_71 = arith.constant 0 : i32
      %parallel_loop3A_72 = arith.constant 1000 : i32
      %parallel_loop3A_73 = arith.constant 1 : i32
      scf.for %parallel_loop3A_95 = %parallel_loop3A_71 to %parallel_loop3A_72 step %parallel_loop3A_73  : i32 {
        %parallel_loop3A_96 = arith.constant 16 : i32
        %parallel_loop3A_97 = arith.muli %parallel_loop3A_95, %parallel_loop3A_96 : i32
        %parallel_loop3A_98 = arith.index_cast %parallel_loop3A_97 : i32 to index
        %parallel_loop3A_99 = tpu.vector_load %arg7[%parallel_loop3A_98] {strides = array<i32>} : memref<16000xi32, #tpu.memory_space<vmem>>, vector<16xi32>,
        %parallel_loop3A_100 = arith.constant 65535 : i32
        %parallel_loop3A_101 = vector.broadcast %parallel_loop3A_100 : i32 to vector<16xi32>
        %parallel_loop3A_102 = arith.andi %parallel_loop3A_99, %parallel_loop3A_101 : vector<16xi32>
        %parallel_loop3A_103 = arith.constant 16 : i32
        %parallel_loop3A_104 = vector.broadcast %parallel_loop3A_103 : i32 to vector<16xi32>
        %parallel_loop3A_105 = arith.shrui %parallel_loop3A_99, %parallel_loop3A_104 : vector<16xi32>
        %parallel_loop3A_106 = arith.constant 0 : i32
        %parallel_loop3A_107 = vector.broadcast %parallel_loop3A_106 : i32 to vector<16xi32>
        %parallel_loop3A_108 = arith.addi %parallel_loop3A_102, %parallel_loop3A_107 : vector<16xi32>
        %parallel_loop3A_109 = tpu.vector_load_idx %arg5[%parallel_loop3A_108] : memref<40000xf32, #tpu.memory_space<vmem>>[vector<16xi32>], vector<16xf32>,
        %parallel_loop3A_110 = arith.constant 0 : i32
        %parallel_loop3A_111 = vector.broadcast %parallel_loop3A_110 : i32 to vector<16xi32>
        %parallel_loop3A_112 = arith.addi %parallel_loop3A_105, %parallel_loop3A_111 : vector<16xi32>
        tpu.vector_store_idx %arg6[%parallel_loop3A_112], %parallel_loop3A_109 {add = true} : memref<40000xf32, #tpu.memory_space<vmem>>[vector<16xi32>], vector<16xf32>,
        %parallel_loop3A_113 = arith.constant 10000 : i32
        %parallel_loop3A_114 = vector.broadcast %parallel_loop3A_113 : i32 to vector<16xi32>
        %parallel_loop3A_115 = arith.addi %parallel_loop3A_102, %parallel_loop3A_114 : vector<16xi32>
        %parallel_loop3A_116 = tpu.vector_load_idx %arg5[%parallel_loop3A_115] : memref<40000xf32, #tpu.memory_space<vmem>>[vector<16xi32>], vector<16xf32>,
        %parallel_loop3A_117 = arith.constant 10000 : i32
        %parallel_loop3A_118 = vector.broadcast %parallel_loop3A_117 : i32 to vector<16xi32>
        %parallel_loop3A_119 = arith.addi %parallel_loop3A_105, %parallel_loop3A_118 : vector<16xi32>
        tpu.vector_store_idx %arg6[%parallel_loop3A_119], %parallel_loop3A_116 {add = true} : memref<40000xf32, #tpu.memory_space<vmem>>[vector<16xi32>], vector<16xf32>,
        %parallel_loop3A_120 = arith.constant 20000 : i32
        %parallel_loop3A_121 = vector.broadcast %parallel_loop3A_120 : i32 to vector<16xi32>
        %parallel_loop3A_122 = arith.addi %parallel_loop3A_102, %parallel_loop3A_121 : vector<16xi32>
        %parallel_loop3A_123 = tpu.vector_load_idx %arg5[%parallel_loop3A_122] : memref<40000xf32, #tpu.memory_space<vmem>>[vector<16xi32>], vector<16xf32>,
        %parallel_loop3A_124 = arith.constant 20000 : i32
        %parallel_loop3A_125 = vector.broadcast %parallel_loop3A_124 : i32 to vector<16xi32>
        %parallel_loop3A_126 = arith.addi %parallel_loop3A_105, %parallel_loop3A_125 : vector<16xi32>
        tpu.vector_store_idx %arg6[%parallel_loop3A_126], %parallel_loop3A_123 {add = true} : memref<40000xf32, #tpu.memory_space<vmem>>[vector<16xi32>], vector<16xf32>,
        %parallel_loop3A_127 = arith.constant 30000 : i32
        %parallel_loop3A_128 = vector.broadcast %parallel_loop3A_127 : i32 to vector<16xi32>
        %parallel_loop3A_129 = arith.addi %parallel_loop3A_102, %parallel_loop3A_128 : vector<16xi32>
        %parallel_loop3A_130 = tpu.vector_load_idx %arg5[%parallel_loop3A_129] : memref<40000xf32, #tpu.memory_space<vmem>>[vector<16xi32>], vector<16xf32>,
        %parallel_loop3A_131 = arith.constant 30000 : i32
        %parallel_loop3A_132 = vector.broadcast %parallel_loop3A_131 : i32 to vector<16xi32>
        %parallel_loop3A_133 = arith.addi %parallel_loop3A_105, %parallel_loop3A_132 : vector<16xi32>
        tpu.vector_store_idx %arg6[%parallel_loop3A_133], %parallel_loop3A_130 {add = true} : memref<40000xf32, #tpu.memory_space<vmem>>[vector<16xi32>], vector<16xf32>,
      } {sc.loop_unroll_factor = 4 : i64, sc.parallel_access}
      %mul3A_74 = arith.constant 2 : i32
      %mul3A_75 = arith.muli %mul3A_74, %scan3A_52 : i32
      %add3A_76 = arith.constant 2 : i32
      %add3A_77 = arith.addi %mul3A_75, %add3A_76 : i32
      %add3A_78 = arith.addi %select_n3A, %add3A_77 : i32
      %ge3A_79 = arith.constant 20 : i32
      %ge3A_80 = arith.cmpi sge, %add3A_78, %ge3A_79 : i32
      %sub3A_81 = arith.constant 20 : i32
      %sub3A_82 = arith.subi %add3A_78, %sub3A_81 : i32
      %select_n3A_83 = arith.select %ge3A_80, %sub3A_82, %add3A_78 : i32
      %mul3A_84 = arith.constant 16000 : i32
      %mul3A_85 = arith.muli %select_n3A_83, %mul3A_84 : i32
      %dma_start3A_86 = tpu.memref_slice %arg3[%mul3A_85] : memref<320000xi32, #tpu.memory_space<hbm>> -> memref<16000xi32, #tpu.memory_space<hbm>>
      %dma_start3A_87 = tpu.memref_slice %arg3[%mul3A_85] : memref<320000xi32, #tpu.memory_space<hbm>> -> memref<16000xi32, #tpu.memory_space<hbm>>
      tpu.enqueue_dma source(%dma_start3A_87 : memref<16000xi32, #tpu.memory_space<hbm>>) target(%arg7 : memref<16000xi32, #tpu.memory_space<vmem>>) target_semaphore(%arg10 : memref<!tpu.dma_semaphore, #tpu.memory_space<semaphore_mem>>)
      %dma_wait3A_88 = arith.constant 0 : i32
      %dma_wait3A_89 = tpu.memref_slice %arg3[%dma_wait3A_88] : memref<320000xi32, #tpu.memory_space<hbm>> -> memref<16000xi32, #tpu.memory_space<hbm>>
      %dma_wait3A_90 = arith.constant 0 : i32
      %dma_wait3A_91 = tpu.memref_slice %arg3[%dma_wait3A_90] : memref<320000xi32, #tpu.memory_space<hbm>> -> memref<16000xi32, #tpu.memory_space<hbm>>
      tpu.wait_dma2 semaphore(%arg11 : memref<!tpu.dma_semaphore, #tpu.memory_space<semaphore_mem>>) src(%dma_wait3A_91 : memref<16000xi32, #tpu.memory_space<hbm>>) dst(%arg8 : memref<16000xi32, #tpu.memory_space<vmem>>)
      %parallel_loop3A_92 = arith.constant 0 : i32
      %parallel_loop3A_93 = arith.constant 1000 : i32
      %parallel_loop3A_94 = arith.constant 1 : i32
      scf.for %parallel_loop3A_95 = %parallel_loop3A_92 to %parallel_loop3A_93 step %parallel_loop3A_94  : i32 {
        %parallel_loop3A_96 = arith.constant 16 : i32
        %parallel_loop3A_97 = arith.muli %parallel_loop3A_95, %parallel_loop3A_96 : i32
        %parallel_loop3A_98 = arith.index_cast %parallel_loop3A_97 : i32 to index
        %parallel_loop3A_99 = tpu.vector_load %arg8[%parallel_loop3A_98] {strides = array<i32>} : memref<16000xi32, #tpu.memory_space<vmem>>, vector<16xi32>,
        %parallel_loop3A_100 = arith.constant 65535 : i32
        %parallel_loop3A_101 = vector.broadcast %parallel_loop3A_100 : i32 to vector<16xi32>
        %parallel_loop3A_102 = arith.andi %parallel_loop3A_99, %parallel_loop3A_101 : vector<16xi32>
        %parallel_loop3A_103 = arith.constant 16 : i32
        %parallel_loop3A_104 = vector.broadcast %parallel_loop3A_103 : i32 to vector<16xi32>
        %parallel_loop3A_105 = arith.shrui %parallel_loop3A_99, %parallel_loop3A_104 : vector<16xi32>
        %parallel_loop3A_106 = arith.constant 0 : i32
        %parallel_loop3A_107 = vector.broadcast %parallel_loop3A_106 : i32 to vector<16xi32>
        %parallel_loop3A_108 = arith.addi %parallel_loop3A_102, %parallel_loop3A_107 : vector<16xi32>
        %parallel_loop3A_109 = tpu.vector_load_idx %arg5[%parallel_loop3A_108] : memref<40000xf32, #tpu.memory_space<vmem>>[vector<16xi32>], vector<16xf32>,
        %parallel_loop3A_110 = arith.constant 0 : i32
        %parallel_loop3A_111 = vector.broadcast %parallel_loop3A_110 : i32 to vector<16xi32>
        %parallel_loop3A_112 = arith.addi %parallel_loop3A_105, %parallel_loop3A_111 : vector<16xi32>
        tpu.vector_store_idx %arg6[%parallel_loop3A_112], %parallel_loop3A_109 {add = true} : memref<40000xf32, #tpu.memory_space<vmem>>[vector<16xi32>], vector<16xf32>,
        %parallel_loop3A_113 = arith.constant 10000 : i32
        %parallel_loop3A_114 = vector.broadcast %parallel_loop3A_113 : i32 to vector<16xi32>
        %parallel_loop3A_115 = arith.addi %parallel_loop3A_102, %parallel_loop3A_114 : vector<16xi32>
        %parallel_loop3A_116 = tpu.vector_load_idx %arg5[%parallel_loop3A_115] : memref<40000xf32, #tpu.memory_space<vmem>>[vector<16xi32>], vector<16xf32>,
        %parallel_loop3A_117 = arith.constant 10000 : i32
        %parallel_loop3A_118 = vector.broadcast %parallel_loop3A_117 : i32 to vector<16xi32>
        %parallel_loop3A_119 = arith.addi %parallel_loop3A_105, %parallel_loop3A_118 : vector<16xi32>
        tpu.vector_store_idx %arg6[%parallel_loop3A_119], %parallel_loop3A_116 {add = true} : memref<40000xf32, #tpu.memory_space<vmem>>[vector<16xi32>], vector<16xf32>,
        %parallel_loop3A_120 = arith.constant 20000 : i32
        %parallel_loop3A_121 = vector.broadcast %parallel_loop3A_120 : i32 to vector<16xi32>
        %parallel_loop3A_122 = arith.addi %parallel_loop3A_102, %parallel_loop3A_121 : vector<16xi32>
        %parallel_loop3A_123 = tpu.vector_load_idx %arg5[%parallel_loop3A_122] : memref<40000xf32, #tpu.memory_space<vmem>>[vector<16xi32>], vector<16xf32>,
        %parallel_loop3A_124 = arith.constant 20000 : i32
        %parallel_loop3A_125 = vector.broadcast %parallel_loop3A_124 : i32 to vector<16xi32>
        %parallel_loop3A_126 = arith.addi %parallel_loop3A_105, %parallel_loop3A_125 : vector<16xi32>
        tpu.vector_store_idx %arg6[%parallel_loop3A_126], %parallel_loop3A_123 {add = true} : memref<40000xf32, #tpu.memory_space<vmem>>[vector<16xi32>], vector<16xf32>,
        %parallel_loop3A_127 = arith.constant 30000 : i32
        %parallel_loop3A_128 = vector.broadcast %parallel_loop3A_127 : i32 to vector<16xi32>
        %parallel_loop3A_129 = arith.addi %parallel_loop3A_102, %parallel_loop3A_128 : vector<16xi32>
        %parallel_loop3A_130 = tpu.vector_load_idx %arg5[%parallel_loop3A_129] : memref<40000xf32, #tpu.memory_space<vmem>>[vector<16xi32>], vector<16xf32>,
        %parallel_loop3A_131 = arith.constant 30000 : i32
        %parallel_loop3A_132 = vector.broadcast %parallel_loop3A_131 : i32 to vector<16xi32>
        %parallel_loop3A_133 = arith.addi %parallel_loop3A_105, %parallel_loop3A_132 : vector<16xi32>
        tpu.vector_store_idx %arg6[%parallel_loop3A_133], %parallel_loop3A_130 {add = true} : memref<40000xf32, #tpu.memory_space<vmem>>[vector<16xi32>], vector<16xf32>,
      } {sc.loop_unroll_factor = 4 : i64, sc.parallel_access}
    }
    %scan3A_47 = arith.constant 10 : i32
    %dma_wait3A_48 = arith.constant 0 : i32
    %dma_wait3A_49 = tpu.memref_slice %arg3[%dma_wait3A_48] : memref<320000xi32, #tpu.memory_space<hbm>> -> memref<16000xi32, #tpu.memory_space<hbm>>
    %dma_wait3A_50 = arith.constant 0 : i32
    %dma_wait3A_51 = tpu.memref_slice %arg3[%dma_wait3A_50] : memref<320000xi32, #tpu.memory_space<hbm>> -> memref<16000xi32, #tpu.memory_space<hbm>>
    tpu.wait_dma2 semaphore(%arg10 : memref<!tpu.dma_semaphore, #tpu.memory_space<semaphore_mem>>) src(%dma_wait3A_51 : memref<16000xi32, #tpu.memory_space<hbm>>) dst(%arg7 : memref<16000xi32, #tpu.memory_space<vmem>>)
    "tpu.region"() ({
      %run_scoped3A = tpu.sem_alloc : memref<!tpu.dma_semaphore, #tpu.memory_space<semaphore_mem>>
      %dma_start3A_52 = arith.constant 0 : i32
      %dma_start3A_53 = tpu.memref_slice %arg4[%add3A, %dma_start3A_52] : memref<32x40000xf32, #tpu.memory_space<hbm>> -> memref<1x40000xf32, #tpu.memory_space<hbm>>
      %dma_start3A_54 = tpu.memref_squeeze %dma_start3A_53 : memref<1x40000xf32, #tpu.memory_space<hbm>> -> memref<40000xf32, #tpu.memory_space<hbm>>
      %dma_start3A_55 = arith.constant 0 : i32
      %dma_start3A_56 = tpu.memref_slice %arg4[%add3A, %dma_start3A_55] : memref<32x40000xf32, #tpu.memory_space<hbm>> -> memref<1x40000xf32, #tpu.memory_space<hbm>>
      %dma_start3A_57 = tpu.memref_squeeze %dma_start3A_56 : memref<1x40000xf32, #tpu.memory_space<hbm>> -> memref<40000xf32, #tpu.memory_space<hbm>>
      tpu.enqueue_dma source(%arg6 : memref<40000xf32, #tpu.memory_space<vmem>>) target(%dma_start3A_57 : memref<40000xf32, #tpu.memory_space<hbm>>) target_semaphore(%run_scoped3A : memref<!tpu.dma_semaphore, #tpu.memory_space<semaphore_mem>>)
      %dma_wait3A_58 = arith.constant 0 : i32
      %dma_wait3A_59 = tpu.memref_slice %arg4[%add3A, %dma_wait3A_58] : memref<32x40000xf32, #tpu.memory_space<hbm>> -> memref<1x40000xf32, #tpu.memory_space<hbm>>
      %dma_wait3A_60 = tpu.memref_squeeze %dma_wait3A_59 : memref<1x40000xf32, #tpu.memory_space<hbm>> -> memref<40000xf32, #tpu.memory_space<hbm>>
      %dma_wait3A_61 = arith.constant 0 : i32
      %dma_wait3A_62 = tpu.memref_slice %arg4[%add3A, %dma_wait3A_61] : memref<32x40000xf32, #tpu.memory_space<hbm>> -> memref<1x40000xf32, #tpu.memory_space<hbm>>
      %dma_wait3A_63 = tpu.memref_squeeze %dma_wait3A_62 : memref<1x40000xf32, #tpu.memory_space<hbm>> -> memref<40000xf32, #tpu.memory_space<hbm>>
      tpu.wait_dma2 semaphore(%run_scoped3A : memref<!tpu.dma_semaphore, #tpu.memory_space<semaphore_mem>>) src(%arg6 : memref<40000xf32, #tpu.memory_space<vmem>>) dst(%dma_wait3A_63 : memref<40000xf32, #tpu.memory_space<hbm>>)
      tpu.yield
    }) : () -> ()
    return
  }
}

module attributes {stable_mosaic.version = 14 : i64} {
  func.func @body(%arg0: i32, %arg1: memref<2000x128xf32, #tpu.memory_space<vmem>>, %arg2: memref<128x128xf32, #tpu.memory_space<vmem>>, %arg3: memref<1x128xf32, #tpu.memory_space<vmem>>, %arg4: memref<2000x128xf32, #tpu.memory_space<vmem>>) attributes {dimension_semantics = [#tpu.dimension_semantics<arbitrary>], iteration_bounds = array<i64: 5>, scalar_prefetch = 0 : i64, scratch_operands = 0 : i64, tpu.core_type = #tpu.core_type<tc>, window_params = [{transform_indices = @transform_0, window_bounds = array<i64: 2000, 128>}, {pipeline_mode = #tpu.pipeline_mode<synchronous>, transform_indices = @transform_1, window_bounds = array<i64: 128, 128>}, {pipeline_mode = #tpu.pipeline_mode<synchronous>, transform_indices = @transform_2, window_bounds = array<i64: 1, 128>}, {transform_indices = @transform_3, window_bounds = array<i64: 2000, 128>}]} {
    %get3A = arith.constant 0 : index
    %get3A_0 = arith.constant 0 : index
    %get3A_1 = vector.load %arg1[%get3A, %get3A_0] : memref<2000x128xf32, #tpu.memory_space<vmem>>, vector<2000x128xf32>
    %get3A_2 = arith.constant 0 : index
    %get3A_3 = arith.constant 0 : index
    %get3A_4 = vector.load %arg2[%get3A_2, %get3A_3] : memref<128x128xf32, #tpu.memory_space<vmem>>, vector<128x128xf32>
    %dot_general3A = arith.constant dense<0.000000e+00> : vector<2000x128xf32>
    %dot_general3A_5 = tpu.matmul %get3A_1, %get3A_4, %dot_general3A {dimension_numbers = #tpu.dot_dimension_numbers<[1], [0], [0], [1], [0, 0, 1, 1], [], []>, transpose_lhs_hint = false} : vector<2000x128xf32>, vector<128x128xf32>, vector<2000x128xf32> -> vector<2000x128xf32>
    %get3A_6 = arith.constant 0 : index
    %get3A_7 = arith.constant 0 : index
    %get3A_8 = vector.load %arg3[%get3A_6, %get3A_7] : memref<1x128xf32, #tpu.memory_space<vmem>>, vector<1x128xf32>
    %add3A = vector.broadcast %get3A_8 : vector<1x128xf32> to vector<2000x128xf32>
    %add3A_9 = arith.addf %dot_general3A_5, %add3A : vector<2000x128xf32>
    %swap3A = arith.constant 0 : index
    %swap3A_10 = arith.constant 0 : index
    %swap3A_11 = vector.load %arg4[%swap3A, %swap3A_10] : memref<2000x128xf32, #tpu.memory_space<vmem>>, vector<2000x128xf32>
    tpu.vector_store %arg4[%swap3A, %swap3A_10], %add3A_9 {strides = array<i32>} : memref<2000x128xf32, #tpu.memory_space<vmem>>, vector<2000x128xf32>,
    return
  }
  func.func @transform_0(%arg0: i32) -> (i32, i32) {
    %c0_i32 = arith.constant 0 : i32
    %c0_i32_0 = arith.constant 0 : i32
    return %arg0, %c0_i32 : i32, i32
  }
  func.func @transform_1(%arg0: i32) -> (i32, i32) {
    %c0_i32 = arith.constant 0 : i32
    %c0_i32_0 = arith.constant 0 : i32
    %c0_i32_1 = arith.constant 0 : i32
    return %c0_i32, %c0_i32_0 : i32, i32
  }
  func.func @transform_2(%arg0: i32) -> (i32, i32) {
    %c0_i32 = arith.constant 0 : i32
    %c0_i32_0 = arith.constant 0 : i32
    %c0_i32_1 = arith.constant 0 : i32
    return %c0_i32, %c0_i32_0 : i32, i32
  }
  func.func @transform_3(%arg0: i32) -> (i32, i32) {
    %c0_i32 = arith.constant 0 : i32
    %c0_i32_0 = arith.constant 0 : i32
    return %arg0, %c0_i32 : i32, i32
  }
}

module attributes {stable_mosaic.version = 14 : i64} {
  func.func @body(%arg0: i32, %arg1: memref<2000x128xf32, #tpu.memory_space<vmem>>, %arg2: memref<2000x1xf32, #tpu.memory_space<vmem>>, %arg3: memref<2000x128xf32, #tpu.memory_space<vmem>>, %arg4: memref<128x128xf32, #tpu.memory_space<vmem>>, %arg5: memref<2000x128xf32, #tpu.memory_space<vmem>>) attributes {dimension_semantics = [#tpu.dimension_semantics<arbitrary>], iteration_bounds = array<i64: 5>, scalar_prefetch = 0 : i64, scratch_operands = 0 : i64, tpu.core_type = #tpu.core_type<tc>, window_params = [{transform_indices = @transform_0, window_bounds = array<i64: 2000, 128>}, {transform_indices = @transform_1, window_bounds = array<i64: 2000, 1>}, {transform_indices = @transform_2, window_bounds = array<i64: 2000, 128>}, {pipeline_mode = #tpu.pipeline_mode<synchronous>, transform_indices = @transform_3, window_bounds = array<i64: 128, 128>}, {transform_indices = @transform_4, window_bounds = array<i64: 2000, 128>}]} {
    %get3A = arith.constant 0 : index
    %get3A_0 = arith.constant 0 : index
    %get3A_1 = vector.load %arg1[%get3A, %get3A_0] : memref<2000x128xf32, #tpu.memory_space<vmem>>, vector<2000x128xf32>
    %get3A_2 = arith.constant 0 : index
    %get3A_3 = arith.constant 0 : index
    %get3A_4 = vector.load %arg4[%get3A_2, %get3A_3] : memref<128x128xf32, #tpu.memory_space<vmem>>, vector<128x128xf32>
    %dot_general3A = arith.constant dense<0.000000e+00> : vector<2000x128xf32>
    %dot_general3A_5 = tpu.matmul %get3A_1, %get3A_4, %dot_general3A {dimension_numbers = #tpu.dot_dimension_numbers<[1], [0], [0], [1], [0, 0, 1, 1], [], []>, transpose_lhs_hint = false} : vector<2000x128xf32>, vector<128x128xf32>, vector<2000x128xf32> -> vector<2000x128xf32>
    %get3A_6 = arith.constant 0 : index
    %get3A_7 = arith.constant 0 : index
    %get3A_8 = vector.load %arg2[%get3A_6, %get3A_7] : memref<2000x1xf32, #tpu.memory_space<vmem>>, vector<2000x1xf32>
    %max3A = arith.constant 1.000000e+00 : f32
    %max3A_9 = vector.broadcast %max3A : f32 to vector<2000x1xf32>
    %max3A_10 = arith.maximumf %get3A_8, %max3A_9 : vector<2000x1xf32>
    %div3A = vector.broadcast %max3A_10 : vector<2000x1xf32> to vector<2000x128xf32>
    %div3A_11 = arith.divf %dot_general3A_5, %div3A : vector<2000x128xf32>
    %get3A_12 = arith.constant 0 : index
    %get3A_13 = arith.constant 0 : index
    %get3A_14 = vector.load %arg3[%get3A_12, %get3A_13] : memref<2000x128xf32, #tpu.memory_space<vmem>>, vector<2000x128xf32>
    %add3A = arith.addf %div3A_11, %get3A_14 : vector<2000x128xf32>
    %max3A_15 = arith.constant 0.000000e+00 : f32
    %max3A_16 = vector.broadcast %max3A_15 : f32 to vector<2000x128xf32>
    %max3A_17 = arith.maximumf %add3A, %max3A_16 : vector<2000x128xf32>
    %swap3A = arith.constant 0 : index
    %swap3A_18 = arith.constant 0 : index
    %swap3A_19 = vector.load %arg5[%swap3A, %swap3A_18] : memref<2000x128xf32, #tpu.memory_space<vmem>>, vector<2000x128xf32>
    tpu.vector_store %arg5[%swap3A, %swap3A_18], %max3A_17 {strides = array<i32>} : memref<2000x128xf32, #tpu.memory_space<vmem>>, vector<2000x128xf32>,
    return
  }
  func.func @transform_0(%arg0: i32) -> (i32, i32) {
    %c0_i32 = arith.constant 0 : i32
    %c0_i32_0 = arith.constant 0 : i32
    return %arg0, %c0_i32 : i32, i32
  }
  func.func @transform_1(%arg0: i32) -> (i32, i32) {
    %c0_i32 = arith.constant 0 : i32
    %c0_i32_0 = arith.constant 0 : i32
    return %arg0, %c0_i32 : i32, i32
  }
  func.func @transform_2(%arg0: i32) -> (i32, i32) {
    %c0_i32 = arith.constant 0 : i32
    %c0_i32_0 = arith.constant 0 : i32
    return %arg0, %c0_i32 : i32, i32
  }
  func.func @transform_3(%arg0: i32) -> (i32, i32) {
    %c0_i32 = arith.constant 0 : i32
    %c0_i32_0 = arith.constant 0 : i32
    %c0_i32_1 = arith.constant 0 : i32
    return %c0_i32, %c0_i32_0 : i32, i32
  }
  func.func @transform_4(%arg0: i32) -> (i32, i32) {
    %c0_i32 = arith.constant 0 : i32
    %c0_i32_0 = arith.constant 0 : i32
    return %arg0, %c0_i32 : i32, i32
  }
}

module attributes {stable_mosaic.version = 14 : i64} {
  func.func @body(%arg0: i32, %arg1: memref<2000x128xf32, #tpu.memory_space<vmem>>, %arg2: memref<2000x1xf32, #tpu.memory_space<vmem>>, %arg3: memref<2000x128xf32, #tpu.memory_space<vmem>>, %arg4: memref<128x128xf32, #tpu.memory_space<vmem>>, %arg5: memref<2000x128xf32, #tpu.memory_space<vmem>>) attributes {dimension_semantics = [#tpu.dimension_semantics<arbitrary>], iteration_bounds = array<i64: 5>, scalar_prefetch = 0 : i64, scratch_operands = 0 : i64, tpu.core_type = #tpu.core_type<tc>, window_params = [{transform_indices = @transform_0, window_bounds = array<i64: 2000, 128>}, {transform_indices = @transform_1, window_bounds = array<i64: 2000, 1>}, {transform_indices = @transform_2, window_bounds = array<i64: 2000, 128>}, {pipeline_mode = #tpu.pipeline_mode<synchronous>, transform_indices = @transform_3, window_bounds = array<i64: 128, 128>}, {transform_indices = @transform_4, window_bounds = array<i64: 2000, 128>}]} {
    %get3A = arith.constant 0 : index
    %get3A_0 = arith.constant 0 : index
    %get3A_1 = vector.load %arg1[%get3A, %get3A_0] : memref<2000x128xf32, #tpu.memory_space<vmem>>, vector<2000x128xf32>
    %get3A_2 = arith.constant 0 : index
    %get3A_3 = arith.constant 0 : index
    %get3A_4 = vector.load %arg4[%get3A_2, %get3A_3] : memref<128x128xf32, #tpu.memory_space<vmem>>, vector<128x128xf32>
    %dot_general3A = arith.constant dense<0.000000e+00> : vector<2000x128xf32>
    %dot_general3A_5 = tpu.matmul %get3A_1, %get3A_4, %dot_general3A {dimension_numbers = #tpu.dot_dimension_numbers<[1], [0], [0], [1], [0, 0, 1, 1], [], []>, transpose_lhs_hint = false} : vector<2000x128xf32>, vector<128x128xf32>, vector<2000x128xf32> -> vector<2000x128xf32>
    %get3A_6 = arith.constant 0 : index
    %get3A_7 = arith.constant 0 : index
    %get3A_8 = vector.load %arg2[%get3A_6, %get3A_7] : memref<2000x1xf32, #tpu.memory_space<vmem>>, vector<2000x1xf32>
    %max3A = arith.constant 1.000000e+00 : f32
    %max3A_9 = vector.broadcast %max3A : f32 to vector<2000x1xf32>
    %max3A_10 = arith.maximumf %get3A_8, %max3A_9 : vector<2000x1xf32>
    %div3A = vector.broadcast %max3A_10 : vector<2000x1xf32> to vector<2000x128xf32>
    %div3A_11 = arith.divf %dot_general3A_5, %div3A : vector<2000x128xf32>
    %get3A_12 = arith.constant 0 : index
    %get3A_13 = arith.constant 0 : index
    %get3A_14 = vector.load %arg3[%get3A_12, %get3A_13] : memref<2000x128xf32, #tpu.memory_space<vmem>>, vector<2000x128xf32>
    %add3A = arith.addf %div3A_11, %get3A_14 : vector<2000x128xf32>
    %swap3A = arith.constant 0 : index
    %swap3A_15 = arith.constant 0 : index
    %swap3A_16 = vector.load %arg5[%swap3A, %swap3A_15] : memref<2000x128xf32, #tpu.memory_space<vmem>>, vector<2000x128xf32>
    tpu.vector_store %arg5[%swap3A, %swap3A_15], %add3A {strides = array<i32>} : memref<2000x128xf32, #tpu.memory_space<vmem>>, vector<2000x128xf32>,
    return
  }
  func.func @transform_0(%arg0: i32) -> (i32, i32) {
    %c0_i32 = arith.constant 0 : i32
    %c0_i32_0 = arith.constant 0 : i32
    return %arg0, %c0_i32 : i32, i32
  }
  func.func @transform_1(%arg0: i32) -> (i32, i32) {
    %c0_i32 = arith.constant 0 : i32
    %c0_i32_0 = arith.constant 0 : i32
    return %arg0, %c0_i32 : i32, i32
  }
  func.func @transform_2(%arg0: i32) -> (i32, i32) {
    %c0_i32 = arith.constant 0 : i32
    %c0_i32_0 = arith.constant 0 : i32
    return %arg0, %c0_i32 : i32, i32
  }
  func.func @transform_3(%arg0: i32) -> (i32, i32) {
    %c0_i32 = arith.constant 0 : i32
    %c0_i32_0 = arith.constant 0 : i32
    %c0_i32_1 = arith.constant 0 : i32
    return %c0_i32, %c0_i32_0 : i32, i32
  }
  func.func @transform_4(%arg0: i32) -> (i32, i32) {
    %c0_i32 = arith.constant 0 : i32
    %c0_i32_0 = arith.constant 0 : i32
    return %arg0, %c0_i32 : i32, i32
  }
}

</mosaic_0001>

<sc_bundles>
// kernel: kernel.11.cloned.1.call-start
scs
__scs_entry_jumppad:
0x0: {  	(pc) =	sbr.rel $0x88, $3  }
0x1: {  	(tag) =	ssettag $0x0;
	lr =	simm.s32 $0x1  }
0x2: {  	[smem:$0x3F99] =	sst lr;
	_ =	strace $0xD0000000  }
0x3: {  	_ = 	snop  }
0x4: {  	_ = 	snop  }
0x5: {  	_ = 	snop  }
0x6: {  	_ = 	snop  }
0x7: {  	_ = 	snop  }
__scs_overlays_trampoline_lowered:
0x8: {  	[smem:$0x3FA8] =	sst s0  }
0x9: {  	[smem:$0x3FA9] =	sst s1  }
0xa: {  	[smem:$0x3FAA] =	sst s2  }
0xb: {  	[smem:$0x3FAB] =	sst s3  }
0xc: {  	[smem:$0x3FAC] =	sst s4  }
0xd: {  	[smem:$0x3FAD] =	sst s5  }
0xe: {  	[smem:$0x3FAE] =	sst s6  }
0xf: {  	[smem:$0x3FAF] =	sst s7  }
0x10: {  	[smem:$0x3FB0] =	sst s8  }
0x11: {  	[smem:$0x3FB1] =	sst s9;
	s0 =	simm.s32 @!p0 $0x0  }
0x12: {  	s1 =	sld [smem:$0x3F97];
	s0 =	simm.s32 @p0 $0x1  }
0x13: {  	[smem:$0x3FB2] =	sst s0;
	s0 =	simm.s32 @!p1 $0x0  }
0x14: {  	s2 =	sld [smem:$0x3F96];
	s0 =	simm.s32 @p1 $0x1  }
0x15: {  	[smem:$0x3FB3] =	sst s0;
	s0 =	simm.s32 @!p2 $0x0  }
0x16: {  	s3 =	sld [smem:$0x3FDB];
	s0 =	simm.s32 @p2 $0x1  }
0x17: {  	s4 =	simm.s32 $0x1BF5;
	[smem:$0x3FB5] =	sst s0  }
0x18: {  	s0 =	sld [smem:$0x3F98];
	_ =	swait.ge [sflag:s4], $0x0  }
0x19: {  	s7 =	sld [smem:$0x3F99]  }
0x1a: {  	s8 =	sadd.s32 $0xFFFFE003, lr  }
0x1b: {  	s9 =	sadd.s32 $0xFFFFFEF7, lr;
	s5 =	simm.s32 $0xFFFFFFFF;
	p2 =	slt.u32 s8, $0xFFFFF086  }
0x1c: {  	p1 =	slt.u32 s9, $0xF7A;
	s5 =	simm.s32 @!p2 $0x0  }
0x1d: {  	s5 =	simm.s32 @p1 $0x1;
	p0 =	seq.s32 s7, s2  }
0x1e: {  	s7 =	smul.u32 @!p0 $0xF7A, s2;
	p2 =	seq.s32 @!p0 s5, $0x0  }
0x1f: {  	s9 =	smul.u32 $0xF7A, s1;
	s8 =	simm.s32 @!p0 $0x1BF5;
	p2 =	por !p2, p0  }
0x20: {  	[sflag:s8] =	ssyncset.s32 @!p0 $0xFFFFF086;
	s6 =	sadd.s32 @!p0 s3, s7;
	s7 =	simm.s32 @!p0 $0x108  }
0x21: {  	s3 =	sadd.s32 s3, s9;
	s6 =	sadd.s32 @!p0 $0x88, s6;
	s7 =	simm.s32 @p2 $0x1082  }
0x22: {  	[simem:s7], [sflag:s8] =	dma.local @!p0 [hbm:s6], $0xF7A  }
0x23: {  	s9 =	sor.u32 $0xD0000000, s2;
	s6 =	simm.s32 $0x108;
	_ =	swait.ge @!p0 [sflag:s8], $0x0  }
0x24: {  	s3 =	sadd.s32 $0x88, s3;
	s6 =	simm.s32 @!p1 $0x1082;
	[sflag:s4] =	ssyncset.s32 $0xFFFFF086  }
0x25: {  	[simem:s6], [sflag:s4] =	dma.local [hbm:s3], $0xF7A  }
0x26: {  	[smem:$0x3F99] =	sst s1;
	(tag) =	ssettag s2;
	_ =	strace s9  }
0x27: {  	s1 =	sld [smem:$0x3FA9]  }
0x28: {  	s2 =	sld [smem:$0x3FAA]  }
0x29: {  	s4 =	sld [smem:$0x3FAC]  }
0x2a: {  	p0 =	seq.s32 s5, $0x0;
	s5 =	sld [smem:$0x3FAD]  }
0x2b: {  	s6 =	sld [smem:$0x3FAE]  }
0x2c: {  	s7 =	sld [smem:$0x3FAF]  }
0x2d: {  	s3 =	simm.s32 $0x108;
	s8 =	sld [smem:$0x3FB0]  }
0x2e: {  	s3 =	simm.s32 @!p0 $0x1082;
	s9 =	sld [smem:$0x3FB1]  }
0x2f: {  	lr =	sadd.s32 s0, s3;
	s0 =	sld [smem:$0x3FA8]  }
0x30: {  	s3 =	sld [smem:$0x3FAB]  }
0x31: {  	[smem:$0x3FB4] =	sst s10  }
0x32: {  	s10 =	sld [smem:$0x3FB2];
	_ =	sdelay $0x3  }
0x33: {  	p0 =	seq.s32 s10, $0x1;
	s10 =	sld [smem:$0x3FB4];
	_ =	sdelay $0x3  }
0x34: {  	[smem:$0x3FB4] =	sst s10  }
0x35: {  	s10 =	sld [smem:$0x3FB3];
	_ =	sdelay $0x3  }
0x36: {  	p1 =	seq.s32 s10, $0x1;
	s10 =	sld [smem:$0x3FB4];
	_ =	sdelay $0x3  }
0x37: {  	[smem:$0x3FB4] =	sst s10  }
0x38: {  	s10 =	sld [smem:$0x3FB5]  }
0x39: {  	_ = 	snop;
	(pc) =	sbr.ind lr, $3  }
0x3a: {  	_ = 	snop  }
0x3b: {  	_ = 	snop  }
0x3c: {  	p2 =	seq.s32 s10, $0x1;
	s10 =	sld [smem:$0x3FB4]  }
0x3d: {  	_ =	shalt  }
0x3e: {  	_ =	shalt  }
0x3f: {  	_ =	shalt  }
0x40: {  	_ =	shalt  }
0x41: {  	_ =	shalt  }
0x42: {  	_ =	shalt  }
0x43: {  	_ =	shalt  }
0x44: {  	_ =	shalt  }
0x45: {  	_ =	shalt  }
0x46: {  	_ =	shalt  }
0x47: {  	_ =	shalt  }
0x48: {  	_ =	shalt  }
0x49: {  	_ =	shalt  }
0x4a: {  	_ =	shalt  }
0x4b: {  	_ =	shalt  }
0x4c: {  	_ =	shalt  }
0x4d: {  	_ =	shalt  }
0x4e: {  	_ =	shalt  }
0x4f: {  	_ =	shalt  }
0x50: {  	_ =	shalt  }
0x51: {  	_ =	shalt  }
0x52: {  	_ =	shalt  }
0x53: {  	_ =	shalt  }
0x54: {  	_ =	shalt  }
0x55: {  	_ =	shalt  }
0x56: {  	_ =	shalt  }
0x57: {  	_ =	shalt  }
0x58: {  	_ =	shalt  }
0x59: {  	_ =	shalt  }
0x5a: {  	_ =	shalt  }
0x5b: {  	_ =	shalt  }
0x5c: {  	_ =	shalt  }
0x5d: {  	_ =	shalt  }
0x5e: {  	_ =	shalt  }
0x5f: {  	_ =	shalt  }
0x60: {  	_ =	shalt  }
0x61: {  	_ =	shalt  }
0x62: {  	_ =	shalt  }
0x63: {  	_ =	shalt  }
0x64: {  	_ =	shalt  }
0x65: {  	_ =	shalt  }
0x66: {  	_ =	shalt  }
0x67: {  	_ =	shalt  }
0x68: {  	_ =	shalt  }
0x69: {  	_ =	shalt  }
0x6a: {  	_ =	shalt  }
0x6b: {  	_ =	shalt  }
0x6c: {  	_ =	shalt  }
0x6d: {  	_ =	shalt  }
0x6e: {  	_ =	shalt  }
0x6f: {  	_ =	shalt  }
0x70: {  	_ =	shalt  }
0x71: {  	_ =	shalt  }
0x72: {  	_ =	shalt  }
0x73: {  	_ =	shalt  }
0x74: {  	_ =	shalt  }
0x75: {  	_ =	shalt  }
0x76: {  	_ =	shalt  }
0x77: {  	_ =	shalt  }
0x78: {  	_ =	shalt  }
0x79: {  	_ =	shalt  }
0x7a: {  	_ =	shalt  }
0x7b: {  	_ =	shalt  }
0x7c: {  	_ =	shalt  }
0x7d: {  	_ =	shalt  }
0x7e: {  	_ =	shalt  }
0x7f: {  	_ =	shalt  }
0x80: {  	_ =	shalt  }
0x81: {  	_ =	shalt  }
0x82: {  	_ =	shalt  }
0x83: {  	_ =	shalt  }
0x84: {  	_ =	shalt  }
0x85: {  	_ =	shalt  }
0x86: {  	_ =	shalt  }
0x87: {  	_ =	shalt  }
.Lfunc_end0:
.L_simem_size_0:
called_computation.1_lowered:
.L_overlay_start_0:
0x88: {  	s2 =	sld [smem:$0x3FD9]  }
0x89: {  	s3 =	sld [smem:$0x3FFE];
	_ =	sdelay $0x1  }
0x8a: {  	s1 =	srdreg.scid  }
0x8b: {  	s0 =	sand.u32 $0x1, s1  }
0x8c: {  	s17 =	sshll.u32 s0, $0xA;
	s2 =	sadd.s32 s3, s2  }
0x8d: {  	s2 =	sadd.s32 s2, s17  }
0x8e: {  	[smem:$0x3FC0] =	sst s2  }
0x8f: {  	_ = 	snop  }
0x90: {  	s2 =	sld [smem:$0x3FD0];
	(tm) =	ssettm $0x1  }
0x91: {  	s18 =	sld [smem:$0x3FFB];
	_ =	sdelay $0x3  }
0x92: {  	_ =	strace s18  }
0x93: {  	s3 =	sld [smem:$0x3FFC];
	_ =	sdelay $0x3  }
0x94: {  	_ =	strace s3  }
0x95: {  	s3 =	sld [smem:$0x3FFD];
	_ =	sdelay $0x3  }
0x96: {  	_ =	strace s3  }
0x97: {  	_ =	strace $0x8FFFFFFF  }
0x98: {  	s19 =	sld [smem:$0x3FDB];
	_ =	sdelay $0x1  }
0x99: {  	s4 =	simm.s32 $_scs_section_size  }
0x9a: {  	s5 =	simm.s32 $_size__tile_overlayer_lowered;
	s6 =	simm.s32 $_tile_overlayer_lowered  }
0x9b: {  	s22 =	simm.s32 $0x1BFF;
	s21 =	sshll.u32 s6, $0x1;
	s3 =	sadd.s32 s4, s19  }
0x9c: {  	s7 =	simm.s32 $0x0;
	s20 =	sshll.u32 s5, $0x1;
	s5 =	sadd.s32 s21, s3  }
0x9d: {  	[timem:s7], [sflag:s22] =	dma.local [hbm:s5], s20  }
0x9e: {  	_ =	swait.ge [sflag:s22], s20  }
0x9f: {  	s4 =	ssub.s32 $0x0, s20;
	[sflag:s22] =	ssyncset.done $0x0  }
0xa0: {  	[sflag:s22] =	ssyncadd.s32 s4;
	_ =	sdelay $0x1  }
0xa1: {  	s23 =	simm.s32 $0x1B8B  }
0xa2: {  	_ =	swait.ge [sflag:s23], $0x1  }
0xa3: {  	[sflag:s23] =	ssyncset.done $0x0  }
0xa4: {  	s25 =	simm.s32 $0x1B8E;
	s24 =	sld [smem:$0x3FFE];
	[sflag:s23] =	ssyncadd.s32 $0xFFFFFFFF  }
0xa5: {  	s26 =	simm.s32 $execute0_lowered;
	[smem:$0x3FD2] =	sst s25  }
0xa6: {  	s5 =	sshll.u32 s26, $0x1;
	_ =	strace $0x80000049;
	[dreg:$0x1] =	wrdreg $0xFFFFFFFF  }
0xa7: {  	s28 =	simm.s32 $_size_execute0_lowered;
	s3 =	sadd.s32 s3, s5;
	[dreg:$0x0] =	wrdreg $0x0  }
0xa8: {  	s5 =	sshll.u32 s28, $0x1;
	[dreg:$0x2] =	wrdreg s3  }
0xa9: {  	[dreg:$0x3] =	wrdreg s5  }
0xaa: {  	[dreg:$0x4] =	wrdreg $0xC0  }
0xab: {  	_ =	task [dreg:s7], $0x5FFFF  }
0xac: {  	[dreg:$0x1] =	wrdreg $0xFFFFFFFF  }
0xad: {  	[dreg:$0x0] =	wrdreg $0x60  }
0xae: {  	[dreg:$0x2] =	wrdreg s24  }
0xaf: {  	[dreg:$0x3] =	wrdreg s2  }
0xb0: {  	[dreg:$0x4] =	wrdreg $0x9  }
0xb1: {  	_ =	task.clear_ibuf [dreg:s7], $0x5FFFF;
	_ =	strace $0x90000049  }
0xb2: {  	s29 =	simm.s32 $0x9;
	_ =	strace $0x8000004B  }
0xb3: {  	_ =	swait.ge [sflag:s29], $0x1  }
0xb4: {  	[sflag:s29] =	ssyncadd.s32 $0xFFFFFFFF  }
0xb5: {  	_ =	strace $0x9000004B  }
0xb6: {  	_ =	sfence  }
0xb7: {  	s30 =	sld [smem:$0x0];
	_ =	sdelay $0x2  }
0xb8: {  	s31 =	sshll.u32 s1, $0xD;
	s1 =	sshrl.u32 s1, $0x2  }
0xb9: {  	s3 =	sand.u32 $0x4000, s31;
	s1 =	sadd.s32 s1, s30  }
0xba: {  	s0 =	sor.u32 s3, s0;
	s1 =	sshll.u32 s1, $0x11  }
0xbb: {  	s0 =	sor.u32 s1, s0  }
0xbc: {  	s0 =	sadd.s32 $0x8F2B, s0  }
0xbd: {  	[sflag:s0] =	ssyncadd.remote.s32 $0x1  }
0xbe: {  	_ =	sfence.sel $0xFFFF  }
0xbf: {  	[dreg:$0x0] =	wrdreg $0xFFFFFFFF;
	(pc) =	sbr.abs _section_cstart, $3  }
0xc0: {  	[dreg:$0x1] =	wrdreg $0xFFFFFFFF  }
0xc1: {  	_ =	task.clear_ibuf [dreg:s7], $0x2FFFF;
	_ =	strace $0x9FFFFFFF  }
0xc2: {  	(tm) =	ssettm $0x7FFFFFFF  }
0xc3: {  	_ =	shalt  }
tec
execute0_lowered:
.L_overlay_start_1:
0x0: {  	(tag) =	ssettag $0x1  }
0x1: {  	s5 =	rddreg [dreg:$0x0]  }
0x2: {  	s2 =	rddreg [dreg:$0x1];
	s1 =	srdreg.scid  }
0x3: {  	s0 =	stileid.u32;
	s12 =	simm.s32 $0x13900;
	s13 =	simm.s32 $0x1  }
0x4: {  	s14 =	simm.s32 $0x17780;
	s15 =	simm.s32 $0x2;
	s16 =	simm.s32 $0x9C80  }
0x5: {  	s17 =	simm.s32 $0x3;
	s18 =	simm.s32 $0x4;
	s19 =	simm.s32 $0x0  }
0x6: {  	s4 =	sand.u32 $0x1, s1;
	s3 =	sshll.u32 s0, $0x1;
	s6 =	sshrl.u32 s0, $0x2  }
0x7: {  	s1 =	rddreg [dreg:$0x2];
	s7 =	sor.u32 s4, s3;
	s6 =	smul.u32 $0x4E400, s6  }
0x8: {  	s3 =	simm.s32 $0x0;
	s8 =	sshll.u32 s7, $0x7;
	s7 =	smul.u32 $0x14, s7  }
0x9: {  	s30 =	ssub.s32 $0x2, s4;
	[smem:$0x7FF] =	sst s3;
	s8 =	sand.u32 $0x380, s8  }
0xa: {  	s31 =	sshrl.u32 s30, $0x1;
	s6 =	sor.u32 s6, s8;
	s4 =	sshrl.u32 s7, $0x5  }
0xb: {  	_ =	strace $0x8000004A;
	s6 =	sshrl.u32 s6, $0x3;
	s9 =	smul.u32 $0x7D0, s4  }
0xc: {  	s11 =	ssub.s32 s30, s31;
	s7 =	sadd.s32 $0x2, s4;
	s10 =	sadd.s32 s6, s5  }
0xd: {  	s5 =	sadd.s32 $0x1E00, s10;
	s6 =	sadd.s32 s2, s9;
	s8 =	sadd.s32 $0x29000, s10  }
0xe: {  	v0 =	vimm.f32 $0.0e+00;
	s9 =	smax.u32 s11, $0x1;
	s10 =	simm.s32 $0x80;
	s11 =	simm.s32 $0x400  }
.LBB2_1:
0xf: {  	[tilespmem:s3], [sflag:$0x1] =	stream.strided.gather [hbm4b:s5+s10], $0x9C80, s11, s10, $0x38;
	[tilespmem:$0x1B600] =	vst v63  }
0x10: {  	s20 =	simm.s32 $0x9CA0  }
0x11: {  	[tilespmem:s12], [sflag:$0x2] =	stream.linear.gather [hbm4b:s6+s3], $0x3E80, $0x38;
	[tilespmem:$0x1B600] =	vst v63  }
0x12: {  	[tilespmem:s20+$0xFFFFFFE0] =	vst v0  }
0x13: {  	[tilespmem:s20+$0x10] =	vst v0  }
0x14: {  	s21 =	simm.s32 $0x0;
	[tilespmem:s20+$0x0] =	vst v0  }
.LBB2_2:
0x15: {  	s21 =	sadd.s32 $0x4, s21  }
0x16: {  	[tilespmem:s20+$0xFFFFFFF0] =	vst v0;
	s20 =	sadd.s32 $0x40, s20;
	p0 =	slt.u32 s21, $0x9C0  }
.Ltmp0:
0x17: {  	[tilespmem:s20+$0xFFFFFFE0] =	vst v0;
	(pc) =	sbr.rel @p0 .LBB2_2-.Ltmp0, $3  }
0x18: {  	_ =	sdelay $0x1  }
0x19: {  	[tilespmem:s20+$0x10] =	vst v0  }
0x1a: {  	[tilespmem:s20+$0x0] =	vst v0  }
0x1b: {  	[tilespmem:s20+$0xFFFFFFF0] =	vst v0  }
0x1c: {  	_ =	swait.ge [sflag:s13], $0x9C80  }
0x1d: {  	[sflag:s13] =	ssyncset.done $0x0  }
0x1e: {  	s20 =	simm.s32 $0x0;
	[sflag:s13] =	ssyncadd.s32 $0xFFFF6380  }
.LBB2_4:
0x1f: {  	s21 =	sshll.u32 s20, $0x1  }
0x20: {  	s22 =	sadd.s32 s21, s4  }
0x21: {  	s23 =	sadd.s32 $0x1, s22;
	s22 =	sadd.s32 $0xFFFFFFED, s22  }
0x22: {  	s22 =	smin.u32 s22, s23  }
0x23: {  	s22 =	smul.u32 $0x3E80, s22;
	_ =	sdelay $0x1  }
0x24: {  	s22 =	sshrl.u32 s22, $0x3  }
0x25: {  	s22 =	sadd.s32 s2, s22  }
0x26: {  	[tilespmem:s14], [sflag:$0x3] =	stream.linear.gather [hbm4b:s22+s3], $0x3E80, $0x38;
	[tilespmem:$0x1B600] =	vst v63  }
0x27: {  	_ =	swait.ge [sflag:s15], $0x3E80  }
0x28: {  	[sflag:s15] =	ssyncset.done $0x0  }
0x29: {  	s30 =	simm.s32 $0x13920;
	[sflag:s15] =	ssyncadd.s32 $0xFFFFC180  }
0x2a: {  	v1 =	vld [tilespmem:s30+$0x10]  }
0x2b: {  	v2 =	vld [tilespmem:s30+$0xFFFFFFF0];
	_ =	sdelay $0x1  }
0x2c: {  	v3 =	vld [tilespmem:s30+$0x0]  }
0x2d: {  	v4 =	vld [tilespmem:s30+$0xFFFFFFE0]  }
0x2e: {  	v5 =	vand.u32 $0xFFFF, v1  }
0x2f: {  	v6 =	vand.u32 $0xFFFF, v2;
	_ =	sdelay $0x1  }
0x30: {  	v7 =	vand.u32 $0xFFFF, v3  }
0x31: {  	v8 =	vand.u32 $0xFFFF, v4  }
0x32: {  	v1 =	vshrl.u32 v1, $0x10;
	v9 =	vld.idx.msk [tilespmem:v5+s3+$0x0], $0xffff  }
0x33: {  	s31 =	simm.s32 $0x13960;
	v2 =	vshrl.u32 v2, $0x10;
	v11 =	vld.idx.msk [tilespmem:v6+s3+$0x0], $0xffff  }
0x34: {  	v61 =	vld [tilespmem:s31+$0xFFFFFFE0];
	v10 =	vadd.s32 $0x2710, v5  }
0x35: {  	v3 =	vshrl.u32 v3, $0x10;
	v12 =	vld.idx.msk [tilespmem:v7+s3+$0x0], $0xffff  }
0x36: {  	v4 =	vshrl.u32 v4, $0x10;
	v13 =	vld.idx.msk [tilespmem:v8+s3+$0x0], $0xffff  }
0x37: {  	v14 =	vadd.s32 $0x2710, v8;
	[tilespmem:v1+s16+$0x0] =	vst.idx.add.f32.msk $0xffff, v9  }
0x38: {  	v9 =	vadd.s32 $0x2710, v6;
	[tilespmem:v2+s16+$0x0] =	vst.idx.add.f32.msk $0xffff, v11  }
0x39: {  	v11 =	vadd.s32 $0x2710, v1;
	v10 =	vld.idx.msk [tilespmem:v10+s3+$0x0], $0xffff  }
0x3a: {  	[tilespmem:v3+s16+$0x0] =	vst.idx.add.f32.msk $0xffff, v12;
	v12 =	vadd.s32 $0x4E20, v5  }
0x3b: {  	v15 =	vadd.s32 $0x2710, v7;
	[tilespmem:v4+s16+$0x0] =	vst.idx.add.f32.msk $0xffff, v13  }
0x3c: {  	v13 =	vadd.s32 $0x2710, v4;
	v14 =	vld.idx.msk [tilespmem:v14+s3+$0x0], $0xffff  }
0x3d: {  	v17 =	vadd.s32 $0x4E20, v8;
	v9 =	vld.idx.msk [tilespmem:v9+s3+$0x0], $0xffff  }
0x3e: {  	v16 =	vadd.s32 $0x2710, v2;
	[tilespmem:v11+s16+$0x0] =	vst.idx.add.f32.msk $0xffff, v10  }
0x3f: {  	v11 =	vadd.s32 $0x4E20, v1;
	v10 =	vld.idx.msk [tilespmem:v12+s3+$0x0], $0xffff  }
0x40: {  	v12 =	vld.idx.msk [tilespmem:v15+s3+$0x0], $0xffff;
	v15 =	vadd.s32 $0x2710, v3  }
0x41: {  	[tilespmem:v13+s16+$0x0] =	vst.idx.add.f32.msk $0xffff, v14;
	v13 =	vadd.s32 $0x4E20, v6  }
0x42: {  	v60 =	vadd.s32 $0x4E20, v4;
	v14 =	vld.idx.msk [tilespmem:v17+s3+$0x0], $0xffff  }
0x43: {  	[tilespmem:v16+s16+$0x0] =	vst.idx.add.f32.msk $0xffff, v9  }
0x44: {  	[tilespmem:v11+s16+$0x0] =	vst.idx.add.f32.msk $0xffff, v10  }
0x45: {  	v5 =	vadd.s32 $0x7530, v5;
	[tilespmem:v15+s16+$0x0] =	vst.idx.add.f32.msk $0xffff, v12  }
0x46: {  	v10 =	vld.idx.msk [tilespmem:v13+s3+$0x0], $0xffff  }
0x47: {  	v9 =	vadd.s32 $0x4E20, v7;
	[tilespmem:v60+s16+$0x0] =	vst.idx.add.f32.msk $0xffff, v14  }
0x48: {  	v8 =	vadd.s32 $0x7530, v8;
	v12 =	vld [tilespmem:s31+$0x10]  }
0x49: {  	v11 =	vadd.s32 $0x4E20, v2;
	v14 =	vld [tilespmem:s31+$0xFFFFFFF0]  }
0x4a: {  	v1 =	vadd.s32 $0x7530, v1;
	v5 =	vld.idx.msk [tilespmem:v5+s3+$0x0], $0xffff  }
0x4b: {  	v18 =	vand.u32 $0xFFFF, v61;
	v15 =	vld [tilespmem:s31+$0x0]  }
0x4c: {  	v13 =	vadd.s32 $0x4E20, v3;
	v9 =	vld.idx.msk [tilespmem:v9+s3+$0x0], $0xffff  }
0x4d: {  	v4 =	vadd.s32 $0x7530, v4;
	v8 =	vld.idx.msk [tilespmem:v8+s3+$0x0], $0xffff  }
0x4e: {  	v7 =	vadd.s32 $0x7530, v7;
	[tilespmem:v11+s16+$0x0] =	vst.idx.add.f32.msk $0xffff, v10  }
0x4f: {  	[tilespmem:v1+s16+$0x0] =	vst.idx.add.f32.msk $0xffff, v5;
	v5 =	vand.u32 $0xFFFF, v12  }
0x50: {  	v62 =	vand.u32 $0xFFFF, v15;
	v19 =	vshrl.u32 v12, $0x10;
	v12 =	vld.idx.msk [tilespmem:v18+s3+$0x0], $0xffff  }
0x51: {  	[tilespmem:v13+s16+$0x0] =	vst.idx.add.f32.msk $0xffff, v9;
	v13 =	vand.u32 $0xFFFF, v14  }
0x52: {  	v16 =	vshrl.u32 v61, $0x10;
	[tilespmem:v4+s16+$0x0] =	vst.idx.add.f32.msk $0xffff, v8  }
0x53: {  	v4 =	vadd.s32 $0x2710, v18;
	v1 =	vld.idx.msk [tilespmem:v7+s3+$0x0], $0xffff  }
0x54: {  	v7 =	vld.idx.msk [tilespmem:v5+s3+$0x0], $0xffff  }
0x55: {  	v10 =	vadd.s32 $0x2710, v5;
	v11 =	vld.idx.msk [tilespmem:v62+s3+$0x0], $0xffff  }
0x56: {  	v14 =	vshrl.u32 v14, $0x10;
	v9 =	vld.idx.msk [tilespmem:v13+s3+$0x0], $0xffff  }
0x57: {  	v6 =	vadd.s32 $0x7530, v6;
	[tilespmem:v16+s16+$0x0] =	vst.idx.add.f32.msk $0xffff, v12  }
0x58: {  	v15 =	vshrl.u32 v15, $0x10;
	v4 =	vld.idx.msk [tilespmem:v4+s3+$0x0], $0xffff  }
0x59: {  	v12 =	vadd.s32 $0x2710, v16;
	[tilespmem:v19+s16+$0x0] =	vst.idx.add.f32.msk $0xffff, v7  }
0x5a: {  	v7 =	vadd.s32 $0x2710, v13;
	v8 =	vld.idx.msk [tilespmem:v10+s3+$0x0], $0xffff  }
0x5b: {  	[tilespmem:v14+s16+$0x0] =	vst.idx.add.f32.msk $0xffff, v9;
	v9 =	vadd.s32 $0x2710, v19  }
0x5c: {  	v6 =	vld.idx.msk [tilespmem:v6+s3+$0x0], $0xffff;
	v10 =	vadd.s32 $0x4E20, v5  }
0x5d: {  	[tilespmem:v15+s16+$0x0] =	vst.idx.add.f32.msk $0xffff, v11;
	v11 =	vadd.s32 $0x2710, v62  }
0x5e: {  	v2 =	vadd.s32 $0x7530, v2;
	[tilespmem:v12+s16+$0x0] =	vst.idx.add.f32.msk $0xffff, v4  }
0x5f: {  	v20 =	vadd.s32 $0x2710, v14;
	v7 =	vld.idx.msk [tilespmem:v7+s3+$0x0], $0xffff  }
0x60: {  	v4 =	vadd.s32 $0x4E20, v13;
	[tilespmem:v9+s16+$0x0] =	vst.idx.add.f32.msk $0xffff, v8  }
0x61: {  	v8 =	vadd.s32 $0x4E20, v18;
	v9 =	vld.idx.msk [tilespmem:v10+s3+$0x0], $0xffff  }
0x62: {  	v10 =	vld.idx.msk [tilespmem:v11+s3+$0x0], $0xffff;
	v11 =	vadd.s32 $0x4E20, v19  }
0x63: {  	[tilespmem:v2+s16+$0x0] =	vst.idx.add.f32.msk $0xffff, v6;
	v5 =	vadd.s32 $0x7530, v5  }
0x64: {  	v6 =	vadd.s32 $0x2710, v15;
	[tilespmem:v20+s16+$0x0] =	vst.idx.add.f32.msk $0xffff, v7  }
0x65: {  	v63 =	vadd.s32 $0x4E20, v62;
	v12 =	vld.idx.msk [tilespmem:v4+s3+$0x0], $0xffff  }
0x66: {  	v22 =	vadd.s32 $0x4E20, v16;
	v21 =	vld.idx.msk [tilespmem:v8+s3+$0x0], $0xffff  }
0x67: {  	[tilespmem:v11+s16+$0x0] =	vst.idx.add.f32.msk $0xffff, v9  }
0x68: {  	v4 =	vadd.s32 $0x7530, v14;
	v9 =	vadd.s32 $0x4E20, v14;
	v14 =	vadd.s32 $0x7530, v19;
	v11 =	vld.idx.msk [tilespmem:v5+s3+$0x0], $0xffff  }
0x69: {  	v2 =	vadd.s32 $0x7530, v3;
	[tilespmem:v6+s16+$0x0] =	vst.idx.add.f32.msk $0xffff, v10  }
0x6a: {  	v3 =	vadd.s32 $0x7530, v16;
	v7 =	vadd.s32 $0x7530, v13;
	v8 =	vadd.s32 $0x7530, v18;
	v13 =	vld.idx.msk [tilespmem:v63+s3+$0x0], $0xffff  }
0x6b: {  	s23 =	simm.s32 $0x139A0;
	s22 =	simm.s32 $0x4;
	v10 =	vadd.s32 $0x4E20, v15;
	v6 =	vadd.s32 $0x7530, v62;
	v5 =	vadd.s32 $0x7530, v15;
	[tilespmem:v22+s16+$0x0] =	vst.idx.add.f32.msk $0xffff, v21  }
.LBB2_5:
0x6c: {  	v15 =	vld [tilespmem:s23+$0x10];
	s22 =	sadd.s32 $0x4, s22  }
0x6d: {  	p0 =	slt.u32 s22, $0x3E4;
	[tilespmem:v14+s16+$0x0] =	vst.idx.add.f32.msk $0xffff, v11  }
0x6e: {  	v11 =	vld [tilespmem:s23+$0xFFFFFFF0]  }
0x6f: {  	v14 =	vld [tilespmem:s23+$0x0]  }
0x70: {  	v16 =	vld [tilespmem:s23+$0xFFFFFFE0]  }
0x71: {  	v17 =	vand.u32 $0xFFFF, v15;
	[tilespmem:v9+s16+$0x0] =	vst.idx.add.f32.msk $0xffff, v12  }
0x72: {  	[tilespmem:v10+s16+$0x0] =	vst.idx.add.f32.msk $0xffff, v13  }
0x73: {  	v12 =	vand.u32 $0xFFFF, v11;
	v11 =	vshrl.u32 v11, $0x10;
	v13 =	vld.idx.msk [tilespmem:v8+s3+$0x0], $0xffff  }
0x74: {  	v18 =	vadd.s32 $0x2710, v12;
	v19 =	vand.u32 $0xFFFF, v14;
	v14 =	vshrl.u32 v14, $0x10;
	v20 =	vld.idx.msk [tilespmem:v7+s3+$0x0], $0xffff  }
0x75: {  	v7 =	vand.u32 $0xFFFF, v16;
	v16 =	vshrl.u32 v16, $0x10;
	v21 =	vadd.s32 $0x2710, v19;
	v22 =	vld.idx.msk [tilespmem:v6+s3+$0x0], $0xffff  }
0x76: {  	v25 =	vadd.s32 $0x2710, v11;
	v23 =	vadd.s32 $0x2710, v7;
	v24 =	vadd.s32 $0x2710, v16;
	v26 =	vld.idx.msk [tilespmem:v17+s3+$0x0], $0xffff  }
0x77: {  	v15 =	vshrl.u32 v15, $0x10;
	v28 =	vadd.s32 $0x2710, v14;
	v27 =	vadd.s32 $0x4E20, v7;
	[tilespmem:v2+s16+$0x0] =	vst.idx.add.f32.msk $0xffff, v1;
	v2 =	vmovc v5  }
0x78: {  	v32 =	vadd.s32 $0x2710, v17;
	v30 =	vadd.s32 $0x4E20, v12;
	v31 =	vadd.s32 $0x4E20, v19;
	v29 =	vld.idx.msk [tilespmem:v12+s3+$0x0], $0xffff  }
0x79: {  	v9 =	vadd.s32 $0x4E20, v11;
	v10 =	vadd.s32 $0x4E20, v14;
	v33 =	vadd.s32 $0x4E20, v16;
	v34 =	vld.idx.msk [tilespmem:v19+s3+$0x0], $0xffff  }
0x7a: {  	v6 =	vadd.s32 $0x7530, v19;
	v8 =	vadd.s32 $0x7530, v7;
	v35 =	vld.idx.msk [tilespmem:v7+s3+$0x0], $0xffff;
	v7 =	vadd.s32 $0x7530, v12  }
0x7b: {  	v5 =	vadd.s32 $0x7530, v14;
	v12 =	vadd.s32 $0x7530, v11;
	v1 =	vmovc v22;
	[tilespmem:v3+s16+$0x0] =	vst.idx.add.f32.msk $0xffff, v13;
	v3 =	vadd.s32 $0x7530, v16  }
0x7c: {  	[tilespmem:v15+s16+$0x0] =	vst.idx.add.f32.msk $0xffff, v26  }
0x7d: {  	v13 =	vld.idx.msk [tilespmem:v32+s3+$0x0], $0xffff  }
0x7e: {  	[tilespmem:v11+s16+$0x0] =	vst.idx.add.f32.msk $0xffff, v29;
	v11 =	vadd.s32 $0x2710, v15  }
0x7f: {  	[tilespmem:v14+s16+$0x0] =	vst.idx.add.f32.msk $0xffff, v34;
	v14 =	vadd.s32 $0x4E20, v17  }
0x80: {  	[tilespmem:v16+s16+$0x0] =	vst.idx.add.f32.msk $0xffff, v35  }
0x81: {  	v16 =	vld.idx.msk [tilespmem:v23+s3+$0x0], $0xffff  }
0x82: {  	v18 =	vld.idx.msk [tilespmem:v18+s3+$0x0], $0xffff  }
0x83: {  	[tilespmem:v11+s16+$0x0] =	vst.idx.add.f32.msk $0xffff, v13  }
0x84: {  	v11 =	vld.idx.msk [tilespmem:v14+s3+$0x0], $0xffff  }
0x85: {  	v14 =	vadd.s32 $0x4E20, v15;
	v13 =	vld.idx.msk [tilespmem:v21+s3+$0x0], $0xffff  }
0x86: {  	v17 =	vadd.s32 $0x7530, v17;
	[tilespmem:v4+s16+$0x0] =	vst.idx.add.f32.msk $0xffff, v20;
	v4 =	vmov v12  }
0x87: {  	[tilespmem:v24+s16+$0x0] =	vst.idx.add.f32.msk $0xffff, v16  }
0x88: {  	[tilespmem:v25+s16+$0x0] =	vst.idx.add.f32.msk $0xffff, v18  }
0x89: {  	v16 =	vld.idx.msk [tilespmem:v27+s3+$0x0], $0xffff  }
0x8a: {  	[tilespmem:v14+s16+$0x0] =	vst.idx.add.f32.msk $0xffff, v11  }
.Ltmp1:
0x8b: {  	v11 =	vld.idx.msk [tilespmem:v17+s3+$0x0], $0xffff;
	(pc) =	sbr.rel @p0 .LBB2_5-.Ltmp1, $4  }
0x8c: {  	v14 =	vadd.s32 $0x7530, v15;
	[tilespmem:v28+s16+$0x0] =	vst.idx.add.f32.msk $0xffff, v13  }
0x8d: {  	v12 =	vld.idx.msk [tilespmem:v30+s3+$0x0], $0xffff  }
0x8e: {  	v13 =	vld.idx.msk [tilespmem:v31+s3+$0x0], $0xffff  }
0x8f: {  	s23 =	sadd.s32 $0x40, s23;
	[tilespmem:v33+s16+$0x0] =	vst.idx.add.f32.msk $0xffff, v16  }
0x90: {  	_ =	sdelay $0x3  }
0x91: {  	v8 =	vld.idx.msk [tilespmem:v8+s3+$0x0], $0xffff  }
0x92: {  	[tilespmem:v9+s16+$0x0] =	vst.idx.add.f32.msk $0xffff, v12  }
0x93: {  	[tilespmem:v10+s16+$0x0] =	vst.idx.add.f32.msk $0xffff, v13  }
0x94: {  	s21 =	sadd.s32 s21, s7;
	v7 =	vld.idx.msk [tilespmem:v7+s3+$0x0], $0xffff  }
0x95: {  	s22 =	sadd.s32 $0xFFFFFFEC, s21;
	v6 =	vld.idx.msk [tilespmem:v6+s3+$0x0], $0xffff  }
0x96: {  	[tilespmem:v14+s16+$0x0] =	vst.idx.add.f32.msk $0xffff, v11;
	s21 =	smin.u32 s22, s21  }
0x97: {  	[tilespmem:v2+s16+$0x0] =	vst.idx.add.f32.msk $0xffff, v1;
	s21 =	smul.u32 $0x3E80, s21  }
0x98: {  	[tilespmem:v3+s16+$0x0] =	vst.idx.add.f32.msk $0xffff, v8  }
0x99: {  	s21 =	sshrl.u32 s21, $0x3;
	[tilespmem:v4+s16+$0x0] =	vst.idx.add.f32.msk $0xffff, v7  }
0x9a: {  	s21 =	sadd.s32 s2, s21;
	[tilespmem:v5+s16+$0x0] =	vst.idx.add.f32.msk $0xffff, v6  }
0x9b: {  	[tilespmem:s12], [sflag:$0x2] =	stream.linear.gather [hbm4b:s21+s3], $0x3E80, $0x38;
	[tilespmem:$0x1B600] =	vst v63  }
0x9c: {  	_ =	swait.ge [sflag:s17], $0x3E80  }
0x9d: {  	[sflag:s17] =	ssyncset.done $0x0  }
0x9e: {  	s30 =	simm.s32 $0x177A0;
	[sflag:s17] =	ssyncadd.s32 $0xFFFFC180  }
0x9f: {  	v1 =	vld [tilespmem:s30+$0x10]  }
0xa0: {  	v2 =	vld [tilespmem:s30+$0xFFFFFFF0];
	_ =	sdelay $0x1  }
0xa1: {  	v3 =	vld [tilespmem:s30+$0x0]  }
0xa2: {  	v4 =	vld [tilespmem:s30+$0xFFFFFFE0]  }
0xa3: {  	v5 =	vand.u32 $0xFFFF, v1  }
0xa4: {  	v6 =	vand.u32 $0xFFFF, v2;
	_ =	sdelay $0x1  }
0xa5: {  	v7 =	vand.u32 $0xFFFF, v3  }
0xa6: {  	v8 =	vand.u32 $0xFFFF, v4  }
0xa7: {  	v1 =	vshrl.u32 v1, $0x10;
	v9 =	vld.idx.msk [tilespmem:v5+s3+$0x0], $0xffff  }
0xa8: {  	s31 =	simm.s32 $0x177E0;
	v2 =	vshrl.u32 v2, $0x10;
	v11 =	vld.idx.msk [tilespmem:v6+s3+$0x0], $0xffff  }
0xa9: {  	v61 =	vld [tilespmem:s31+$0xFFFFFFE0];
	v10 =	vadd.s32 $0x2710, v5  }
0xaa: {  	v3 =	vshrl.u32 v3, $0x10;
	v12 =	vld.idx.msk [tilespmem:v7+s3+$0x0], $0xffff  }
0xab: {  	v4 =	vshrl.u32 v4, $0x10;
	v13 =	vld.idx.msk [tilespmem:v8+s3+$0x0], $0xffff  }
0xac: {  	v14 =	vadd.s32 $0x2710, v8;
	[tilespmem:v1+s16+$0x0] =	vst.idx.add.f32.msk $0xffff, v9  }
0xad: {  	v9 =	vadd.s32 $0x2710, v6;
	[tilespmem:v2+s16+$0x0] =	vst.idx.add.f32.msk $0xffff, v11  }
0xae: {  	v11 =	vadd.s32 $0x2710, v1;
	v10 =	vld.idx.msk [tilespmem:v10+s3+$0x0], $0xffff  }
0xaf: {  	[tilespmem:v3+s16+$0x0] =	vst.idx.add.f32.msk $0xffff, v12;
	v12 =	vadd.s32 $0x4E20, v5  }
0xb0: {  	v15 =	vadd.s32 $0x2710, v7;
	[tilespmem:v4+s16+$0x0] =	vst.idx.add.f32.msk $0xffff, v13  }
0xb1: {  	v13 =	vadd.s32 $0x2710, v4;
	v14 =	vld.idx.msk [tilespmem:v14+s3+$0x0], $0xffff  }
0xb2: {  	v17 =	vadd.s32 $0x4E20, v8;
	v9 =	vld.idx.msk [tilespmem:v9+s3+$0x0], $0xffff  }
0xb3: {  	v16 =	vadd.s32 $0x2710, v2;
	[tilespmem:v11+s16+$0x0] =	vst.idx.add.f32.msk $0xffff, v10  }
0xb4: {  	v11 =	vadd.s32 $0x4E20, v1;
	v10 =	vld.idx.msk [tilespmem:v12+s3+$0x0], $0xffff  }
0xb5: {  	v12 =	vld.idx.msk [tilespmem:v15+s3+$0x0], $0xffff;
	v15 =	vadd.s32 $0x2710, v3  }
0xb6: {  	[tilespmem:v13+s16+$0x0] =	vst.idx.add.f32.msk $0xffff, v14;
	v13 =	vadd.s32 $0x4E20, v6  }
0xb7: {  	v60 =	vadd.s32 $0x4E20, v4;
	v14 =	vld.idx.msk [tilespmem:v17+s3+$0x0], $0xffff  }
0xb8: {  	[tilespmem:v16+s16+$0x0] =	vst.idx.add.f32.msk $0xffff, v9  }
0xb9: {  	[tilespmem:v11+s16+$0x0] =	vst.idx.add.f32.msk $0xffff, v10  }
0xba: {  	v5 =	vadd.s32 $0x7530, v5;
	[tilespmem:v15+s16+$0x0] =	vst.idx.add.f32.msk $0xffff, v12  }
0xbb: {  	v10 =	vld.idx.msk [tilespmem:v13+s3+$0x0], $0xffff  }
0xbc: {  	v9 =	vadd.s32 $0x4E20, v7;
	[tilespmem:v60+s16+$0x0] =	vst.idx.add.f32.msk $0xffff, v14  }
0xbd: {  	v8 =	vadd.s32 $0x7530, v8;
	v12 =	vld [tilespmem:s31+$0x10]  }
0xbe: {  	v11 =	vadd.s32 $0x4E20, v2;
	v14 =	vld [tilespmem:s31+$0xFFFFFFF0]  }
0xbf: {  	v1 =	vadd.s32 $0x7530, v1;
	v5 =	vld.idx.msk [tilespmem:v5+s3+$0x0], $0xffff  }
0xc0: {  	v18 =	vand.u32 $0xFFFF, v61;
	v15 =	vld [tilespmem:s31+$0x0]  }
0xc1: {  	v13 =	vadd.s32 $0x4E20, v3;
	v9 =	vld.idx.msk [tilespmem:v9+s3+$0x0], $0xffff  }
0xc2: {  	v4 =	vadd.s32 $0x7530, v4;
	v8 =	vld.idx.msk [tilespmem:v8+s3+$0x0], $0xffff  }
0xc3: {  	v7 =	vadd.s32 $0x7530, v7;
	[tilespmem:v11+s16+$0x0] =	vst.idx.add.f32.msk $0xffff, v10  }
0xc4: {  	[tilespmem:v1+s16+$0x0] =	vst.idx.add.f32.msk $0xffff, v5;
	v5 =	vand.u32 $0xFFFF, v12  }
0xc5: {  	v62 =	vand.u32 $0xFFFF, v15;
	v19 =	vshrl.u32 v12, $0x10;
	v12 =	vld.idx.msk [tilespmem:v18+s3+$0x0], $0xffff  }
0xc6: {  	[tilespmem:v13+s16+$0x0] =	vst.idx.add.f32.msk $0xffff, v9;
	v13 =	vand.u32 $0xFFFF, v14  }
0xc7: {  	v16 =	vshrl.u32 v61, $0x10;
	[tilespmem:v4+s16+$0x0] =	vst.idx.add.f32.msk $0xffff, v8  }
0xc8: {  	v4 =	vadd.s32 $0x2710, v18;
	v1 =	vld.idx.msk [tilespmem:v7+s3+$0x0], $0xffff  }
0xc9: {  	v7 =	vld.idx.msk [tilespmem:v5+s3+$0x0], $0xffff  }
0xca: {  	v10 =	vadd.s32 $0x2710, v5;
	v11 =	vld.idx.msk [tilespmem:v62+s3+$0x0], $0xffff  }
0xcb: {  	v14 =	vshrl.u32 v14, $0x10;
	v9 =	vld.idx.msk [tilespmem:v13+s3+$0x0], $0xffff  }
0xcc: {  	v6 =	vadd.s32 $0x7530, v6;
	[tilespmem:v16+s16+$0x0] =	vst.idx.add.f32.msk $0xffff, v12  }
0xcd: {  	v15 =	vshrl.u32 v15, $0x10;
	v4 =	vld.idx.msk [tilespmem:v4+s3+$0x0], $0xffff  }
0xce: {  	v12 =	vadd.s32 $0x2710, v16;
	[tilespmem:v19+s16+$0x0] =	vst.idx.add.f32.msk $0xffff, v7  }
0xcf: {  	v7 =	vadd.s32 $0x2710, v13;
	v8 =	vld.idx.msk [tilespmem:v10+s3+$0x0], $0xffff  }
0xd0: {  	[tilespmem:v14+s16+$0x0] =	vst.idx.add.f32.msk $0xffff, v9;
	v9 =	vadd.s32 $0x2710, v19  }
0xd1: {  	v6 =	vld.idx.msk [tilespmem:v6+s3+$0x0], $0xffff;
	v10 =	vadd.s32 $0x4E20, v5  }
0xd2: {  	[tilespmem:v15+s16+$0x0] =	vst.idx.add.f32.msk $0xffff, v11;
	v11 =	vadd.s32 $0x2710, v62  }
0xd3: {  	v2 =	vadd.s32 $0x7530, v2;
	[tilespmem:v12+s16+$0x0] =	vst.idx.add.f32.msk $0xffff, v4  }
0xd4: {  	v20 =	vadd.s32 $0x2710, v14;
	v7 =	vld.idx.msk [tilespmem:v7+s3+$0x0], $0xffff  }
0xd5: {  	v4 =	vadd.s32 $0x4E20, v13;
	[tilespmem:v9+s16+$0x0] =	vst.idx.add.f32.msk $0xffff, v8  }
0xd6: {  	v8 =	vadd.s32 $0x4E20, v18;
	v9 =	vld.idx.msk [tilespmem:v10+s3+$0x0], $0xffff  }
0xd7: {  	v10 =	vld.idx.msk [tilespmem:v11+s3+$0x0], $0xffff;
	v11 =	vadd.s32 $0x4E20, v19  }
0xd8: {  	[tilespmem:v2+s16+$0x0] =	vst.idx.add.f32.msk $0xffff, v6;
	v5 =	vadd.s32 $0x7530, v5  }
0xd9: {  	v6 =	vadd.s32 $0x2710, v15;
	[tilespmem:v20+s16+$0x0] =	vst.idx.add.f32.msk $0xffff, v7  }
0xda: {  	v63 =	vadd.s32 $0x4E20, v62;
	v12 =	vld.idx.msk [tilespmem:v4+s3+$0x0], $0xffff  }
0xdb: {  	v22 =	vadd.s32 $0x4E20, v16;
	v21 =	vld.idx.msk [tilespmem:v8+s3+$0x0], $0xffff  }
0xdc: {  	[tilespmem:v11+s16+$0x0] =	vst.idx.add.f32.msk $0xffff, v9  }
0xdd: {  	v4 =	vadd.s32 $0x7530, v14;
	v9 =	vadd.s32 $0x4E20, v14;
	v14 =	vadd.s32 $0x7530, v19;
	v11 =	vld.idx.msk [tilespmem:v5+s3+$0x0], $0xffff  }
0xde: {  	v2 =	vadd.s32 $0x7530, v3;
	[tilespmem:v6+s16+$0x0] =	vst.idx.add.f32.msk $0xffff, v10  }
0xdf: {  	v3 =	vadd.s32 $0x7530, v16;
	v7 =	vadd.s32 $0x7530, v13;
	v8 =	vadd.s32 $0x7530, v18;
	v13 =	vld.idx.msk [tilespmem:v63+s3+$0x0], $0xffff  }
0xe0: {  	s22 =	simm.s32 $0x17820;
	s21 =	simm.s32 $0x4;
	v10 =	vadd.s32 $0x4E20, v15;
	v6 =	vadd.s32 $0x7530, v62;
	v5 =	vadd.s32 $0x7530, v15;
	[tilespmem:v22+s16+$0x0] =	vst.idx.add.f32.msk $0xffff, v21  }
.LBB2_7:
0xe1: {  	v15 =	vld [tilespmem:s22+$0x10];
	s21 =	sadd.s32 $0x4, s21  }
0xe2: {  	p0 =	slt.u32 s21, $0x3E4;
	[tilespmem:v14+s16+$0x0] =	vst.idx.add.f32.msk $0xffff, v11  }
0xe3: {  	v11 =	vld [tilespmem:s22+$0xFFFFFFF0]  }
0xe4: {  	v14 =	vld [tilespmem:s22+$0x0]  }
0xe5: {  	v16 =	vld [tilespmem:s22+$0xFFFFFFE0]  }
0xe6: {  	v17 =	vand.u32 $0xFFFF, v15;
	[tilespmem:v9+s16+$0x0] =	vst.idx.add.f32.msk $0xffff, v12  }
0xe7: {  	[tilespmem:v10+s16+$0x0] =	vst.idx.add.f32.msk $0xffff, v13  }
0xe8: {  	v12 =	vand.u32 $0xFFFF, v11;
	v11 =	vshrl.u32 v11, $0x10;
	v13 =	vld.idx.msk [tilespmem:v8+s3+$0x0], $0xffff  }
0xe9: {  	v18 =	vadd.s32 $0x2710, v12;
	v19 =	vand.u32 $0xFFFF, v14;
	v14 =	vshrl.u32 v14, $0x10;
	v20 =	vld.idx.msk [tilespmem:v7+s3+$0x0], $0xffff  }
0xea: {  	v7 =	vand.u32 $0xFFFF, v16;
	v16 =	vshrl.u32 v16, $0x10;
	v21 =	vadd.s32 $0x2710, v19;
	v22 =	vld.idx.msk [tilespmem:v6+s3+$0x0], $0xffff  }
0xeb: {  	v25 =	vadd.s32 $0x2710, v11;
	v23 =	vadd.s32 $0x2710, v7;
	v24 =	vadd.s32 $0x2710, v16;
	v26 =	vld.idx.msk [tilespmem:v17+s3+$0x0], $0xffff  }
0xec: {  	v15 =	vshrl.u32 v15, $0x10;
	v28 =	vadd.s32 $0x2710, v14;
	v27 =	vadd.s32 $0x4E20, v7;
	[tilespmem:v2+s16+$0x0] =	vst.idx.add.f32.msk $0xffff, v1;
	v2 =	vmovc v5  }
0xed: {  	v32 =	vadd.s32 $0x2710, v17;
	v30 =	vadd.s32 $0x4E20, v12;
	v31 =	vadd.s32 $0x4E20, v19;
	v29 =	vld.idx.msk [tilespmem:v12+s3+$0x0], $0xffff  }
0xee: {  	v9 =	vadd.s32 $0x4E20, v11;
	v10 =	vadd.s32 $0x4E20, v14;
	v33 =	vadd.s32 $0x4E20, v16;
	v34 =	vld.idx.msk [tilespmem:v19+s3+$0x0], $0xffff  }
0xef: {  	v6 =	vadd.s32 $0x7530, v19;
	v8 =	vadd.s32 $0x7530, v7;
	v35 =	vld.idx.msk [tilespmem:v7+s3+$0x0], $0xffff;
	v7 =	vadd.s32 $0x7530, v12  }
0xf0: {  	v5 =	vadd.s32 $0x7530, v14;
	v12 =	vadd.s32 $0x7530, v11;
	v1 =	vmovc v22;
	[tilespmem:v3+s16+$0x0] =	vst.idx.add.f32.msk $0xffff, v13;
	v3 =	vadd.s32 $0x7530, v16  }
0xf1: {  	[tilespmem:v15+s16+$0x0] =	vst.idx.add.f32.msk $0xffff, v26  }
0xf2: {  	v13 =	vld.idx.msk [tilespmem:v32+s3+$0x0], $0xffff  }
0xf3: {  	[tilespmem:v11+s16+$0x0] =	vst.idx.add.f32.msk $0xffff, v29;
	v11 =	vadd.s32 $0x2710, v15  }
0xf4: {  	[tilespmem:v14+s16+$0x0] =	vst.idx.add.f32.msk $0xffff, v34;
	v14 =	vadd.s32 $0x4E20, v17  }
0xf5: {  	[tilespmem:v16+s16+$0x0] =	vst.idx.add.f32.msk $0xffff, v35  }
0xf6: {  	v16 =	vld.idx.msk [tilespmem:v23+s3+$0x0], $0xffff  }
0xf7: {  	v18 =	vld.idx.msk [tilespmem:v18+s3+$0x0], $0xffff  }
0xf8: {  	[tilespmem:v11+s16+$0x0] =	vst.idx.add.f32.msk $0xffff, v13  }
0xf9: {  	v11 =	vld.idx.msk [tilespmem:v14+s3+$0x0], $0xffff  }
0xfa: {  	v14 =	vadd.s32 $0x4E20, v15;
	v13 =	vld.idx.msk [tilespmem:v21+s3+$0x0], $0xffff  }
0xfb: {  	v17 =	vadd.s32 $0x7530, v17;
	[tilespmem:v4+s16+$0x0] =	vst.idx.add.f32.msk $0xffff, v20;
	v4 =	vmov v12  }
0xfc: {  	[tilespmem:v24+s16+$0x0] =	vst.idx.add.f32.msk $0xffff, v16  }
0xfd: {  	[tilespmem:v25+s16+$0x0] =	vst.idx.add.f32.msk $0xffff, v18  }
0xfe: {  	v16 =	vld.idx.msk [tilespmem:v27+s3+$0x0], $0xffff  }
0xff: {  	[tilespmem:v14+s16+$0x0] =	vst.idx.add.f32.msk $0xffff, v11  }
.Ltmp2:
0x100: {  	v11 =	vld.idx.msk [tilespmem:v17+s3+$0x0], $0xffff;
	(pc) =	sbr.rel @p0 .LBB2_7-.Ltmp2, $4  }
0x101: {  	v14 =	vadd.s32 $0x7530, v15;
	[tilespmem:v28+s16+$0x0] =	vst.idx.add.f32.msk $0xffff, v13  }
0x102: {  	v12 =	vld.idx.msk [tilespmem:v30+s3+$0x0], $0xffff  }
0x103: {  	v13 =	vld.idx.msk [tilespmem:v31+s3+$0x0], $0xffff  }
0x104: {  	s22 =	sadd.s32 $0x40, s22;
	[tilespmem:v33+s16+$0x0] =	vst.idx.add.f32.msk $0xffff, v16  }
0x105: {  	_ =	sdelay $0x3  }
0x106: {  	v8 =	vld.idx.msk [tilespmem:v8+s3+$0x0], $0xffff  }
0x107: {  	[tilespmem:v9+s16+$0x0] =	vst.idx.add.f32.msk $0xffff, v12  }
0x108: {  	[tilespmem:v10+s16+$0x0] =	vst.idx.add.f32.msk $0xffff, v13  }
0x109: {  	s20 =	sadd.s32 $0x1, s20;
	v7 =	vld.idx.msk [tilespmem:v7+s3+$0x0], $0xffff  }
0x10a: {  	p0 =	sne.s32 s20, $0xA;
	v6 =	vld.idx.msk [tilespmem:v6+s3+$0x0], $0xffff  }
.Ltmp3:
0x10b: {  	[tilespmem:v14+s16+$0x0] =	vst.idx.add.f32.msk $0xffff, v11;
	(pc) =	sbr.rel @p0 .LBB2_4-.Ltmp3, $4  }
0x10c: {  	[tilespmem:v2+s16+$0x0] =	vst.idx.add.f32.msk $0xffff, v1  }
0x10d: {  	[tilespmem:v3+s16+$0x0] =	vst.idx.add.f32.msk $0xffff, v8  }
0x10e: {  	[tilespmem:v4+s16+$0x0] =	vst.idx.add.f32.msk $0xffff, v7  }
0x10f: {  	[tilespmem:v5+s16+$0x0] =	vst.idx.add.f32.msk $0xffff, v6  }
0x110: {  	_ =	swait.ge [sflag:s15], $0x3E80;
	s19 =	sadd.s32 $0x1, s19  }
0x111: {  	[sflag:s15] =	ssyncset.done $0x0;
	p0 =	sne.s32 s19, s9  }
.Ltmp4:
0x112: {  	[sflag:s15] =	ssyncadd.s32 $0xFFFFC180;
	(pc) =	sbr.rel @p0 .LBB2_1-.Ltmp4, $4  }
0x113: {  	[hbm4b:s8+s10] =	stream.strided.scatter [tilespmem:s16], [sflag:$0x4], $0x9C80, s11, s10, $0x38;
	[tilespmem:$0x1B600] =	vst v63  }
0x114: {  	_ =	swait.ge [sflag:s18], $0x9C80  }
0x115: {  	[sflag:s18] =	ssyncset.done $0x0  }
0x116: {  	[sflag:s18] =	ssyncadd.s32 $0xFFFF6380  }
0x117: {  	_ =	sfence.sel $0x180000  }
0x118: {  	[bflag:$0x0] =	sbarrier.arrive $0xFFFF  }
0x119: {  	p0 =	sne.s32 s0, $0x0;
	_ =	strace $0x9000004A  }
0x11a: {  	s0 =	sadd.s32 @!p0 $0x100000, s1;
	[bflag:$0x2] =	sbarrier.arrive $0xFFFF  }
0x11b: {  	[sflag:s0] =	ssyncadd.tile.s32 @!p0 $0x1;
	_ =	shalt  }
.Lfunc_end2:
_tile_overlayer_lowered:
.L_overlay_start_2:
0x11c: {  	(tag) =	ssettag $0x2  }
0x11d: {  	s0 =	rddreg [dreg:$0x0];
	s2 =	stileid.u32  }
0x11e: {  	s1 =	rddreg [dreg:$0x1];
	p0 =	sne.s32 s2, $0x0  }
0x11f: {  	s3 =	rddreg [dreg:$0x2];
	[bflag:$0x3] =	sbarrier.arrive $0xFFFF;
	s2 =	simm.s32 @!p0 $0x1C04  }
0x120: {  	[timem:s3], [sflag:s2] =	dma.local @!p0 [hbm:s0], s1  }
0x121: {  	s0 =	simm.s32 @!p0 $0x4  }
0x122: {  	_ =	swait.ge @!p0 [sflag:s0], s1  }
0x123: {  	s1 =	ssub.s32 @!p0 $0x0, s1;
	[sflag:s0] =	ssyncset.done @!p0 $0x0  }
0x124: {  	[sflag:s0] =	ssyncadd.s32 @!p0 s1  }
0x125: {  	[bflag:$0x3] =	sbarrier.arrive $0xFFFF  }
0x126: {  	_ =	shalt  }

// kernel: kernel.8.cloned.1.call-start
scs
__scs_entry_jumppad:
0x0: {  	(pc) =	sbr.rel $0x88, $3  }
0x1: {  	(tag) =	ssettag $0x0;
	lr =	simm.s32 $0x1  }
0x2: {  	[smem:$0x3F99] =	sst lr;
	_ =	strace $0xD0000000  }
0x3: {  	_ = 	snop  }
0x4: {  	_ = 	snop  }
0x5: {  	_ = 	snop  }
0x6: {  	_ = 	snop  }
0x7: {  	_ = 	snop  }
__scs_overlays_trampoline_lowered:
0x8: {  	[smem:$0x3FA8] =	sst s0  }
0x9: {  	[smem:$0x3FA9] =	sst s1  }
0xa: {  	[smem:$0x3FAA] =	sst s2  }
0xb: {  	[smem:$0x3FAB] =	sst s3  }
0xc: {  	[smem:$0x3FAC] =	sst s4  }
0xd: {  	[smem:$0x3FAD] =	sst s5  }
0xe: {  	[smem:$0x3FAE] =	sst s6  }
0xf: {  	[smem:$0x3FAF] =	sst s7  }
0x10: {  	[smem:$0x3FB0] =	sst s8  }
0x11: {  	[smem:$0x3FB1] =	sst s9;
	s0 =	simm.s32 @!p0 $0x0  }
0x12: {  	s1 =	sld [smem:$0x3F97];
	s0 =	simm.s32 @p0 $0x1  }
0x13: {  	[smem:$0x3FB2] =	sst s0;
	s0 =	simm.s32 @!p1 $0x0  }
0x14: {  	s2 =	sld [smem:$0x3F96];
	s0 =	simm.s32 @p1 $0x1  }
0x15: {  	[smem:$0x3FB3] =	sst s0;
	s0 =	simm.s32 @!p2 $0x0  }
0x16: {  	s3 =	sld [smem:$0x3FDB];
	s0 =	simm.s32 @p2 $0x1  }
0x17: {  	s4 =	simm.s32 $0x1BF5;
	[smem:$0x3FB5] =	sst s0  }
0x18: {  	s0 =	sld [smem:$0x3F98];
	_ =	swait.ge [sflag:s4], $0x0  }
0x19: {  	s7 =	sld [smem:$0x3F99]  }
0x1a: {  	s8 =	sadd.s32 $0xFFFFE003, lr  }
0x1b: {  	s9 =	sadd.s32 $0xFFFFFEF7, lr;
	s5 =	simm.s32 $0xFFFFFFFF;
	p2 =	slt.u32 s8, $0xFFFFF086  }
0x1c: {  	p1 =	slt.u32 s9, $0xF7A;
	s5 =	simm.s32 @!p2 $0x0  }
0x1d: {  	s5 =	simm.s32 @p1 $0x1;
	p0 =	seq.s32 s7, s2  }
0x1e: {  	s7 =	smul.u32 @!p0 $0xF7A, s2;
	p2 =	seq.s32 @!p0 s5, $0x0  }
0x1f: {  	s9 =	smul.u32 $0xF7A, s1;
	s8 =	simm.s32 @!p0 $0x1BF5;
	p2 =	por !p2, p0  }
0x20: {  	[sflag:s8] =	ssyncset.s32 @!p0 $0xFFFFF086;
	s6 =	sadd.s32 @!p0 s3, s7;
	s7 =	simm.s32 @!p0 $0x108  }
0x21: {  	s3 =	sadd.s32 s3, s9;
	s6 =	sadd.s32 @!p0 $0x88, s6;
	s7 =	simm.s32 @p2 $0x1082  }
0x22: {  	[simem:s7], [sflag:s8] =	dma.local @!p0 [hbm:s6], $0xF7A  }
0x23: {  	s9 =	sor.u32 $0xD0000000, s2;
	s6 =	simm.s32 $0x108;
	_ =	swait.ge @!p0 [sflag:s8], $0x0  }
0x24: {  	s3 =	sadd.s32 $0x88, s3;
	s6 =	simm.s32 @!p1 $0x1082;
	[sflag:s4] =	ssyncset.s32 $0xFFFFF086  }
0x25: {  	[simem:s6], [sflag:s4] =	dma.local [hbm:s3], $0xF7A  }
0x26: {  	[smem:$0x3F99] =	sst s1;
	(tag) =	ssettag s2;
	_ =	strace s9  }
0x27: {  	s1 =	sld [smem:$0x3FA9]  }
0x28: {  	s2 =	sld [smem:$0x3FAA]  }
0x29: {  	s4 =	sld [smem:$0x3FAC]  }
0x2a: {  	p0 =	seq.s32 s5, $0x0;
	s5 =	sld [smem:$0x3FAD]  }
0x2b: {  	s6 =	sld [smem:$0x3FAE]  }
0x2c: {  	s7 =	sld [smem:$0x3FAF]  }
0x2d: {  	s3 =	simm.s32 $0x108;
	s8 =	sld [smem:$0x3FB0]  }
0x2e: {  	s3 =	simm.s32 @!p0 $0x1082;
	s9 =	sld [smem:$0x3FB1]  }
0x2f: {  	lr =	sadd.s32 s0, s3;
	s0 =	sld [smem:$0x3FA8]  }
0x30: {  	s3 =	sld [smem:$0x3FAB]  }
0x31: {  	[smem:$0x3FB4] =	sst s10  }
0x32: {  	s10 =	sld [smem:$0x3FB2];
	_ =	sdelay $0x3  }
0x33: {  	p0 =	seq.s32 s10, $0x1;
	s10 =	sld [smem:$0x3FB4];
	_ =	sdelay $0x3  }
0x34: {  	[smem:$0x3FB4] =	sst s10  }
0x35: {  	s10 =	sld [smem:$0x3FB3];
	_ =	sdelay $0x3  }
0x36: {  	p1 =	seq.s32 s10, $0x1;
	s10 =	sld [smem:$0x3FB4];
	_ =	sdelay $0x3  }
0x37: {  	[smem:$0x3FB4] =	sst s10  }
0x38: {  	s10 =	sld [smem:$0x3FB5]  }
0x39: {  	_ = 	snop;
	(pc) =	sbr.ind lr, $3  }
0x3a: {  	_ = 	snop  }
0x3b: {  	_ = 	snop  }
0x3c: {  	p2 =	seq.s32 s10, $0x1;
	s10 =	sld [smem:$0x3FB4]  }
0x3d: {  	_ =	shalt  }
0x3e: {  	_ =	shalt  }
0x3f: {  	_ =	shalt  }
0x40: {  	_ =	shalt  }
0x41: {  	_ =	shalt  }
0x42: {  	_ =	shalt  }
0x43: {  	_ =	shalt  }
0x44: {  	_ =	shalt  }
0x45: {  	_ =	shalt  }
0x46: {  	_ =	shalt  }
0x47: {  	_ =	shalt  }
0x48: {  	_ =	shalt  }
0x49: {  	_ =	shalt  }
0x4a: {  	_ =	shalt  }
0x4b: {  	_ =	shalt  }
0x4c: {  	_ =	shalt  }
0x4d: {  	_ =	shalt  }
0x4e: {  	_ =	shalt  }
0x4f: {  	_ =	shalt  }
0x50: {  	_ =	shalt  }
0x51: {  	_ =	shalt  }
0x52: {  	_ =	shalt  }
0x53: {  	_ =	shalt  }
0x54: {  	_ =	shalt  }
0x55: {  	_ =	shalt  }
0x56: {  	_ =	shalt  }
0x57: {  	_ =	shalt  }
0x58: {  	_ =	shalt  }
0x59: {  	_ =	shalt  }
0x5a: {  	_ =	shalt  }
0x5b: {  	_ =	shalt  }
0x5c: {  	_ =	shalt  }
0x5d: {  	_ =	shalt  }
0x5e: {  	_ =	shalt  }
0x5f: {  	_ =	shalt  }
0x60: {  	_ =	shalt  }
0x61: {  	_ =	shalt  }
0x62: {  	_ =	shalt  }
0x63: {  	_ =	shalt  }
0x64: {  	_ =	shalt  }
0x65: {  	_ =	shalt  }
0x66: {  	_ =	shalt  }
0x67: {  	_ =	shalt  }
0x68: {  	_ =	shalt  }
0x69: {  	_ =	shalt  }
0x6a: {  	_ =	shalt  }
0x6b: {  	_ =	shalt  }
0x6c: {  	_ =	shalt  }
0x6d: {  	_ =	shalt  }
0x6e: {  	_ =	shalt  }
0x6f: {  	_ =	shalt  }
0x70: {  	_ =	shalt  }
0x71: {  	_ =	shalt  }
0x72: {  	_ =	shalt  }
0x73: {  	_ =	shalt  }
0x74: {  	_ =	shalt  }
0x75: {  	_ =	shalt  }
0x76: {  	_ =	shalt  }
0x77: {  	_ =	shalt  }
0x78: {  	_ =	shalt  }
0x79: {  	_ =	shalt  }
0x7a: {  	_ =	shalt  }
0x7b: {  	_ =	shalt  }
0x7c: {  	_ =	shalt  }
0x7d: {  	_ =	shalt  }
0x7e: {  	_ =	shalt  }
0x7f: {  	_ =	shalt  }
0x80: {  	_ =	shalt  }
0x81: {  	_ =	shalt  }
0x82: {  	_ =	shalt  }
0x83: {  	_ =	shalt  }
0x84: {  	_ =	shalt  }
0x85: {  	_ =	shalt  }
0x86: {  	_ =	shalt  }
0x87: {  	_ =	shalt  }
.Lfunc_end0:
.L_simem_size_0:
called_computation_lowered:
.L_overlay_start_0:
0x88: {  	s2 =	sld [smem:$0x3FD9]  }
0x89: {  	s3 =	sld [smem:$0x3FFE];
	_ =	sdelay $0x1  }
0x8a: {  	s1 =	srdreg.scid  }
0x8b: {  	s0 =	sand.u32 $0x1, s1  }
0x8c: {  	s17 =	sshll.u32 s0, $0xA;
	s2 =	sadd.s32 s3, s2  }
0x8d: {  	s2 =	sadd.s32 s2, s17  }
0x8e: {  	[smem:$0x3FC0] =	sst s2  }
0x8f: {  	_ = 	snop  }
0x90: {  	s2 =	sld [smem:$0x3FD0];
	(tm) =	ssettm $0x1  }
0x91: {  	s18 =	sld [smem:$0x3FFB];
	_ =	sdelay $0x3  }
0x92: {  	_ =	strace s18  }
0x93: {  	s3 =	sld [smem:$0x3FFC];
	_ =	sdelay $0x3  }
0x94: {  	_ =	strace s3  }
0x95: {  	s3 =	sld [smem:$0x3FFD];
	_ =	sdelay $0x3  }
0x96: {  	_ =	strace s3  }
0x97: {  	_ =	strace $0x8FFFFFFF  }
0x98: {  	s19 =	sld [smem:$0x3FDB];
	_ =	sdelay $0x1  }
0x99: {  	s4 =	simm.s32 $_scs_section_size  }
0x9a: {  	s5 =	simm.s32 $_size__tile_overlayer_lowered;
	s6 =	simm.s32 $_tile_overlayer_lowered  }
0x9b: {  	s22 =	simm.s32 $0x1BFF;
	s21 =	sshll.u32 s6, $0x1;
	s3 =	sadd.s32 s4, s19  }
0x9c: {  	s7 =	simm.s32 $0x0;
	s20 =	sshll.u32 s5, $0x1;
	s5 =	sadd.s32 s21, s3  }
0x9d: {  	[timem:s7], [sflag:s22] =	dma.local [hbm:s5], s20  }
0x9e: {  	_ =	swait.ge [sflag:s22], s20  }
0x9f: {  	s4 =	ssub.s32 $0x0, s20;
	[sflag:s22] =	ssyncset.done $0x0  }
0xa0: {  	[sflag:s22] =	ssyncadd.s32 s4;
	_ =	sdelay $0x1  }
0xa1: {  	s23 =	simm.s32 $0x1B8B  }
0xa2: {  	_ =	swait.ge [sflag:s23], $0x1  }
0xa3: {  	[sflag:s23] =	ssyncset.done $0x0  }
0xa4: {  	s25 =	simm.s32 $0x1B8E;
	s24 =	sld [smem:$0x3FFE];
	[sflag:s23] =	ssyncadd.s32 $0xFFFFFFFF  }
0xa5: {  	s26 =	simm.s32 $execute0_lowered;
	[smem:$0x3FD2] =	sst s25  }
0xa6: {  	s5 =	sshll.u32 s26, $0x1;
	_ =	strace $0x80000046;
	[dreg:$0x1] =	wrdreg $0xFFFFFFFF  }
0xa7: {  	s28 =	simm.s32 $_size_execute0_lowered;
	s3 =	sadd.s32 s3, s5;
	[dreg:$0x0] =	wrdreg $0x0  }
0xa8: {  	s5 =	sshll.u32 s28, $0x1;
	[dreg:$0x2] =	wrdreg s3  }
0xa9: {  	[dreg:$0x3] =	wrdreg s5  }
0xaa: {  	[dreg:$0x4] =	wrdreg $0xC0  }
0xab: {  	_ =	task [dreg:s7], $0x5FFFF  }
0xac: {  	[dreg:$0x1] =	wrdreg $0xFFFFFFFF  }
0xad: {  	[dreg:$0x0] =	wrdreg $0x60  }
0xae: {  	[dreg:$0x2] =	wrdreg s24  }
0xaf: {  	[dreg:$0x3] =	wrdreg s2  }
0xb0: {  	[dreg:$0x4] =	wrdreg $0x9  }
0xb1: {  	_ =	task.clear_ibuf [dreg:s7], $0x5FFFF;
	_ =	strace $0x90000046  }
0xb2: {  	s29 =	simm.s32 $0x9;
	_ =	strace $0x80000048  }
0xb3: {  	_ =	swait.ge [sflag:s29], $0x1  }
0xb4: {  	[sflag:s29] =	ssyncadd.s32 $0xFFFFFFFF  }
0xb5: {  	_ =	strace $0x90000048  }
0xb6: {  	_ =	sfence  }
0xb7: {  	s30 =	sld [smem:$0x0];
	_ =	sdelay $0x2  }
0xb8: {  	s31 =	sshll.u32 s1, $0xD;
	s1 =	sshrl.u32 s1, $0x2  }
0xb9: {  	s3 =	sand.u32 $0x4000, s31;
	s1 =	sadd.s32 s1, s30  }
0xba: {  	s0 =	sor.u32 s3, s0;
	s1 =	sshll.u32 s1, $0x11  }
0xbb: {  	s0 =	sor.u32 s1, s0  }
0xbc: {  	s0 =	sadd.s32 $0x8F2B, s0  }
0xbd: {  	[sflag:s0] =	ssyncadd.remote.s32 $0x1  }
0xbe: {  	_ =	sfence.sel $0xFFFF  }
0xbf: {  	[dreg:$0x0] =	wrdreg $0xFFFFFFFF;
	(pc) =	sbr.abs _section_cstart, $3  }
0xc0: {  	[dreg:$0x1] =	wrdreg $0xFFFFFFFF  }
0xc1: {  	_ =	task.clear_ibuf [dreg:s7], $0x2FFFF;
	_ =	strace $0x9FFFFFFF  }
0xc2: {  	(tm) =	ssettm $0x7FFFFFFF  }
0xc3: {  	_ =	shalt  }
tec
execute0_lowered:
.L_overlay_start_1:
0x0: {  	(tag) =	ssettag $0x1  }
0x1: {  	s5 =	rddreg [dreg:$0x0]  }
0x2: {  	s2 =	rddreg [dreg:$0x1];
	s1 =	srdreg.scid  }
0x3: {  	s0 =	stileid.u32;
	s11 =	simm.s32 $0x80;
	s12 =	simm.s32 $0x400  }
0x4: {  	s13 =	simm.s32 $0x16080;
	s14 =	simm.s32 $0x1;
	s15 =	simm.s32 $0x19F00  }
0x5: {  	s16 =	simm.s32 $0x2;
	s17 =	simm.s32 $0x9C80;
	s18 =	simm.s32 $0x13900  }
0x6: {  	s19 =	simm.s32 $0x3;
	s21 =	simm.s32 $0x0;
	s6 =	sand.u32 $0x1, s1  }
0x7: {  	s3 =	sshll.u32 s0, $0x1;
	s4 =	sshrl.u32 s0, $0x2;
	s1 =	rddreg [dreg:$0x2]  }
0x8: {  	s20 =	sor.u32 s6, s3;
	s4 =	smul.u32 $0x4E400, s4;
	s3 =	simm.s32 $0x0  }
0x9: {  	s6 =	ssub.s32 $0x2, s6;
	s7 =	sshll.u32 s20, $0x7;
	s8 =	smul.u32 $0x14, s20  }
0xa: {  	[smem:$0x7FF] =	sst s3;
	s31 =	sshrl.u32 s6, $0x1;
	s7 =	sand.u32 $0x380, s7  }
0xb: {  	p0 =	sne.s32 s20, $0x0;
	s20 =	simm.s32 $0x4;
	s7 =	sor.u32 s4, s7  }
0xc: {  	_ =	strace $0x80000047;
	s4 =	sshrl.u32 s8, $0x5;
	s7 =	sshrl.u32 s7, $0x3  }
0xd: {  	s10 =	ssub.s32 s6, s31;
	s8 =	smul.u32 $0x7D0, s4;
	s9 =	sadd.s32 s7, s5  }
0xe: {  	s10 =	smax.u32 s10, $0x1;
	s5 =	sadd.s32 $0x50200, s5;
	s6 =	sadd.s32 $0x1E00, s9  }
0xf: {  	v0 =	vimm.f32 $0.0e+00;
	v1 =	vimm.f32 $1.000000000e+00;
	s7 =	sadd.s32 s2, s8;
	s8 =	sadd.s32 $0x2, s4;
	s9 =	sadd.s32 $0x29000, s9  }
.LBB2_1:
0x10: {  	[tilespmem:s3], [sflag:$0x1] =	stream.strided.gather [hbm4b:s6+s11], $0x9C80, s12, s11, $0x38;
	[tilespmem:$0x1DD80] =	vst v63  }
0x11: {  	s23 =	simm.s32 $0x9CA0  }
0x12: {  	[tilespmem:s13], [sflag:$0x2] =	stream.linear.gather [hbm4b:s7+s3], $0x3E80, $0x38;
	[tilespmem:$0x1DD80] =	vst v63  }
0x13: {  	[tilespmem:s23+$0xFFFFFFE0] =	vst v0  }
0x14: {  	[tilespmem:s23+$0x10] =	vst v0  }
0x15: {  	s24 =	simm.s32 $0x0;
	[tilespmem:s23+$0x0] =	vst v0  }
.LBB2_2:
0x16: {  	s24 =	sadd.s32 $0x4, s24  }
0x17: {  	[tilespmem:s23+$0xFFFFFFF0] =	vst v0;
	s23 =	sadd.s32 $0x40, s23;
	s22 =	simm.s32 $0x13920;
	p1 =	slt.u32 s24, $0x9C0  }
.Ltmp0:
0x18: {  	[tilespmem:s23+$0xFFFFFFE0] =	vst v0;
	(pc) =	sbr.rel @p1 .LBB2_2-.Ltmp0, $3  }
0x19: {  	_ =	sdelay $0x1  }
0x1a: {  	[tilespmem:s23+$0x10] =	vst v0  }
0x1b: {  	[tilespmem:s23+$0x0] =	vst v0  }
0x1c: {  	[tilespmem:s23+$0xFFFFFFF0] =	vst v0  }
0x1d: {  	[tilespmem:s22+$0xFFFFFFE0] =	vst v0  }
0x1e: {  	[tilespmem:s22+$0x10] =	vst v0  }
0x1f: {  	s23 =	simm.s32 $0x0;
	[tilespmem:s22+$0x0] =	vst v0  }
.LBB2_4:
0x20: {  	s23 =	sadd.s32 $0x4, s23  }
0x21: {  	[tilespmem:s22+$0xFFFFFFF0] =	vst v0;
	s22 =	sadd.s32 $0x40, s22;
	p1 =	slt.u32 s23, $0x26C  }
.Ltmp1:
0x22: {  	[tilespmem:s22+$0xFFFFFFE0] =	vst v0;
	(pc) =	sbr.rel @p1 .LBB2_4-.Ltmp1, $3  }
0x23: {  	_ =	sdelay $0x1  }
0x24: {  	[tilespmem:s22+$0x10] =	vst v0  }
0x25: {  	[tilespmem:s22+$0x0] =	vst v0  }
0x26: {  	[tilespmem:s22+$0xFFFFFFF0] =	vst v0  }
0x27: {  	[tilespmem:$0x16000] =	vst v0  }
0x28: {  	_ =	swait.ge [sflag:s14], $0x9C80  }
0x29: {  	[sflag:s14] =	ssyncset.done $0x0  }
0x2a: {  	s22 =	simm.s32 $0x0;
	[sflag:s14] =	ssyncadd.s32 $0xFFFF6380  }
.LBB2_6:
0x2b: {  	s23 =	sshll.u32 s22, $0x1  }
0x2c: {  	s24 =	sadd.s32 s23, s4  }
0x2d: {  	s25 =	sadd.s32 $0x1, s24;
	s24 =	sadd.s32 $0xFFFFFFED, s24  }
0x2e: {  	s24 =	smin.u32 s24, s25  }
0x2f: {  	s24 =	smul.u32 $0x3E80, s24;
	_ =	sdelay $0x1  }
0x30: {  	s24 =	sshrl.u32 s24, $0x3  }
0x31: {  	s24 =	sadd.s32 s2, s24  }
0x32: {  	[tilespmem:s15], [sflag:$0x3] =	stream.linear.gather [hbm4b:s24+s3], $0x3E80, $0x38;
	[tilespmem:$0x1DD80] =	vst v63  }
0x33: {  	_ =	swait.ge [sflag:s16], $0x3E80  }
0x34: {  	[sflag:s16] =	ssyncset.done $0x0  }
0x35: {  	s30 =	simm.s32 $0x160A0;
	[sflag:s16] =	ssyncadd.s32 $0xFFFFC180  }
0x36: {  	v2 =	vld [tilespmem:s30+$0x10]  }
0x37: {  	v3 =	vld [tilespmem:s30+$0xFFFFFFF0]  }
0x38: {  	v4 =	vld [tilespmem:s30+$0xFFFFFFE0]  }
0x39: {  	v5 =	vld [tilespmem:s30+$0x0];
	_ =	sdelay $0x1  }
0x3a: {  	v6 =	vand.u32 $0xFFFF, v2  }
0x3b: {  	v7 =	vand.u32 $0xFFFF, v3  }
0x3c: {  	v8 =	vand.u32 $0xFFFF, v4  }
0x3d: {  	v9 =	vand.u32 $0xFFFF, v5;
	_ =	sdelay $0x1  }
0x3e: {  	v11 =	vshrl.u32 v2, $0x10;
	v10 =	vld.idx.msk [tilespmem:v6+s3+$0x0], $0xffff  }
0x3f: {  	v13 =	vshrl.u32 v3, $0x10;
	v3 =	vld.idx.msk [tilespmem:v7+s3+$0x0], $0xffff  }
0x40: {  	v4 =	vshrl.u32 v4, $0x10;
	v14 =	vld.idx.msk [tilespmem:v8+s3+$0x0], $0xffff  }
0x41: {  	v2 =	vshrl.u32 v5, $0x10;
	v5 =	vld.idx.msk [tilespmem:v9+s3+$0x0], $0xffff  }
0x42: {  	v12 =	vadd.s32 $0x2710, v6  }
0x43: {  	v15 =	vadd.s32 $0x2710, v8;
	[tilespmem:v11+s17+$0x0] =	vst.idx.add.f32.msk $0xffff, v10  }
0x44: {  	[tilespmem:v13+s17+$0x0] =	vst.idx.add.f32.msk $0xffff, v3  }
0x45: {  	[tilespmem:v4+s17+$0x0] =	vst.idx.add.f32.msk $0xffff, v14  }
0x46: {  	v10 =	vadd.s32 $0x2710, v7;
	[tilespmem:v2+s17+$0x0] =	vst.idx.add.f32.msk $0xffff, v5  }
0x47: {  	v3 =	vadd.s32 $0x2710, v11;
	v12 =	vld.idx.msk [tilespmem:v12+s3+$0x0], $0xffff  }
0x48: {  	v5 =	vadd.s32 $0x2710, v4;
	v15 =	vld.idx.msk [tilespmem:v15+s3+$0x0], $0xffff  }
0x49: {  	s31 =	simm.s32 $0x160E0;
	v14 =	vadd.s32 $0x4E20, v6  }
0x4a: {  	v55 =	vld [tilespmem:s31+$0xFFFFFFE0];
	v16 =	vadd.s32 $0x2710, v9  }
0x4b: {  	v18 =	vadd.s32 $0x4E20, v8;
	v10 =	vld.idx.msk [tilespmem:v10+s3+$0x0], $0xffff  }
0x4c: {  	v17 =	vadd.s32 $0x2710, v13;
	[tilespmem:v3+s17+$0x0] =	vst.idx.add.f32.msk $0xffff, v12  }
0x4d: {  	[tilespmem:v5+s17+$0x0] =	vst.idx.add.f32.msk $0xffff, v15;
	v5 =	vadd.s32 $0x4E20, v7  }
0x4e: {  	v12 =	vadd.s32 $0x4E20, v11;
	v3 =	vld.idx.msk [tilespmem:v14+s3+$0x0], $0xffff  }
0x4f: {  	v53 =	vadd.s32 $0x2710, v2;
	v14 =	vld.idx.msk [tilespmem:v16+s3+$0x0], $0xffff  }
0x50: {  	v6 =	vadd.s32 $0x7530, v6;
	v15 =	vld.idx.msk [tilespmem:v18+s3+$0x0], $0xffff  }
0x51: {  	v54 =	vadd.s32 $0x4E20, v4;
	[tilespmem:v17+s17+$0x0] =	vst.idx.add.f32.msk $0xffff, v10  }
0x52: {  	v5 =	vld.idx.msk [tilespmem:v5+s3+$0x0], $0xffff  }
0x53: {  	[tilespmem:v12+s17+$0x0] =	vst.idx.add.f32.msk $0xffff, v3  }
0x54: {  	v3 =	vadd.s32 $0x7530, v8;
	[tilespmem:v53+s17+$0x0] =	vst.idx.add.f32.msk $0xffff, v14  }
0x55: {  	v8 =	vadd.s32 $0x7530, v11;
	v6 =	vld.idx.msk [tilespmem:v6+s3+$0x0], $0xffff  }
0x56: {  	v10 =	vadd.s32 $0x4E20, v9;
	[tilespmem:v54+s17+$0x0] =	vst.idx.add.f32.msk $0xffff, v15  }
0x57: {  	v12 =	vld [tilespmem:s31+$0xFFFFFFF0]  }
0x58: {  	v14 =	vld [tilespmem:s31+$0x0]  }
0x59: {  	v15 =	vadd.s32 $0x7530, v4;
	v3 =	vld.idx.msk [tilespmem:v3+s3+$0x0], $0xffff  }
0x5a: {  	[tilespmem:v8+s17+$0x0] =	vst.idx.add.f32.msk $0xffff, v6;
	v6 =	vadd.s32 $0x4E20, v13  }
0x5b: {  	v10 =	vld.idx.msk [tilespmem:v10+s3+$0x0], $0xffff;
	v8 =	vadd.s32 $0x4E20, v2  }
0x5c: {  	[tilespmem:v11+s18+$0x0] =	vst.idx.add.f32.msk $0xffff, v1  }
0x5d: {  	v7 =	vadd.s32 $0x7530, v7;
	v11 =	vld [tilespmem:s31+$0x10]  }
0x5e: {  	v9 =	vadd.s32 $0x7530, v9;
	[tilespmem:v15+s17+$0x0] =	vst.idx.add.f32.msk $0xffff, v3  }
0x5f: {  	v56 =	vand.u32 $0xFFFF, v14;
	[tilespmem:v6+s17+$0x0] =	vst.idx.add.f32.msk $0xffff, v5  }
0x60: {  	[tilespmem:v8+s17+$0x0] =	vst.idx.add.f32.msk $0xffff, v10;
	v8 =	vand.u32 $0xFFFF, v12  }
0x61: {  	v10 =	vand.u32 $0xFFFF, v55;
	[tilespmem:v4+s18+$0x0] =	vst.idx.add.f32.msk $0xffff, v1  }
0x62: {  	v6 =	vand.u32 $0xFFFF, v11;
	v7 =	vld.idx.msk [tilespmem:v7+s3+$0x0], $0xffff  }
0x63: {  	v15 =	vadd.s32 $0x7530, v13;
	v9 =	vld.idx.msk [tilespmem:v9+s3+$0x0], $0xffff  }
0x64: {  	v4 =	vshrl.u32 v14, $0x10;
	v20 =	vshrl.u32 v11, $0x10;
	v11 =	vld.idx.msk [tilespmem:v56+s3+$0x0], $0xffff  }
0x65: {  	v19 =	vld.idx.msk [tilespmem:v8+s3+$0x0], $0xffff  }
0x66: {  	v3 =	vshrl.u32 v12, $0x10;
	v12 =	vld.idx.msk [tilespmem:v10+s3+$0x0], $0xffff  }
0x67: {  	v57 =	vld.idx.msk [tilespmem:v6+s3+$0x0], $0xffff  }
0x68: {  	v21 =	vadd.s32 $0x2710, v6;
	[tilespmem:v15+s17+$0x0] =	vst.idx.add.f32.msk $0xffff, v7  }
0x69: {  	v5 =	vshrl.u32 v55, $0x10;
	[tilespmem:v4+s17+$0x0] =	vst.idx.add.f32.msk $0xffff, v11  }
0x6a: {  	v7 =	vadd.s32 $0x2710, v10;
	[tilespmem:v13+s18+$0x0] =	vst.idx.add.f32.msk $0xffff, v1  }
0x6b: {  	v11 =	vadd.s32 $0x7530, v2;
	[tilespmem:v3+s17+$0x0] =	vst.idx.add.f32.msk $0xffff, v19  }
0x6c: {  	v13 =	vadd.s32 $0x2710, v8;
	[tilespmem:v20+s17+$0x0] =	vst.idx.add.f32.msk $0xffff, v57  }
0x6d: {  	v15 =	vadd.s32 $0x2710, v20;
	v14 =	vld.idx.msk [tilespmem:v21+s3+$0x0], $0xffff  }
0x6e: {  	v58 =	vadd.s32 $0x2710, v56;
	[tilespmem:v5+s17+$0x0] =	vst.idx.add.f32.msk $0xffff, v12  }
0x6f: {  	v59 =	vadd.s32 $0x2710, v5;
	v7 =	vld.idx.msk [tilespmem:v7+s3+$0x0], $0xffff  }
0x70: {  	v12 =	vadd.s32 $0x4E20, v6;
	[tilespmem:v11+s17+$0x0] =	vst.idx.add.f32.msk $0xffff, v9  }
0x71: {  	v60 =	vadd.s32 $0x2710, v3;
	v13 =	vld.idx.msk [tilespmem:v13+s3+$0x0], $0xffff  }
0x72: {  	[tilespmem:v15+s17+$0x0] =	vst.idx.add.f32.msk $0xffff, v14;
	v14 =	vadd.s32 $0x4E20, v10  }
0x73: {  	v9 =	vadd.s32 $0x2710, v4;
	v15 =	vld.idx.msk [tilespmem:v58+s3+$0x0], $0xffff  }
0x74: {  	[tilespmem:v59+s17+$0x0] =	vst.idx.add.f32.msk $0xffff, v7;
	v7 =	vadd.s32 $0x4E20, v8  }
0x75: {  	v61 =	vadd.s32 $0x4E20, v20;
	v12 =	vld.idx.msk [tilespmem:v12+s3+$0x0], $0xffff  }
0x76: {  	v6 =	vadd.s32 $0x7530, v6;
	[tilespmem:v60+s17+$0x0] =	vst.idx.add.f32.msk $0xffff, v13  }
0x77: {  	v11 =	vadd.s32 $0x4E20, v56;
	v14 =	vld.idx.msk [tilespmem:v14+s3+$0x0], $0xffff  }
0x78: {  	v62 =	vadd.s32 $0x4E20, v5;
	[tilespmem:v9+s17+$0x0] =	vst.idx.add.f32.msk $0xffff, v15  }
0x79: {  	v63 =	vadd.s32 $0x4E20, v3;
	v15 =	vld.idx.msk [tilespmem:v7+s3+$0x0], $0xffff  }
0x7a: {  	v10 =	vadd.s32 $0x7530, v10;
	[tilespmem:v61+s17+$0x0] =	vst.idx.add.f32.msk $0xffff, v12  }
0x7b: {  	v9 =	vadd.s32 $0x7530, v20;
	v6 =	vld.idx.msk [tilespmem:v6+s3+$0x0], $0xffff  }
0x7c: {  	v13 =	vld.idx.msk [tilespmem:v11+s3+$0x0], $0xffff  }
0x7d: {  	[tilespmem:v62+s17+$0x0] =	vst.idx.add.f32.msk $0xffff, v14  }
0x7e: {  	[tilespmem:v63+s17+$0x0] =	vst.idx.add.f32.msk $0xffff, v15  }
0x7f: {  	v12 =	vld.idx.msk [tilespmem:v10+s3+$0x0], $0xffff  }
0x80: {  	v7 =	vadd.s32 $0x7530, v3;
	v11 =	vadd.s32 $0x7530, v8;
	v8 =	vadd.s32 $0x7530, v5;
	[tilespmem:v9+s17+$0x0] =	vst.idx.add.f32.msk $0xffff, v6  }
0x81: {  	s25 =	simm.s32 $0x16120;
	s24 =	simm.s32 $0x4;
	v10 =	vadd.s32 $0x4E20, v4;
	v9 =	vadd.s32 $0x7530, v56;
	v6 =	vadd.s32 $0x7530, v4;
	[tilespmem:v20+s18+$0x0] =	vst.idx.add.f32.msk $0xffff, v1  }
.LBB2_7:
0x82: {  	v14 =	vld [tilespmem:s25+$0x10]  }
0x83: {  	s24 =	sadd.s32 $0x4, s24;
	v15 =	vld [tilespmem:s25+$0xFFFFFFF0]  }
0x84: {  	p1 =	slt.u32 s24, $0x3E4;
	v16 =	vld [tilespmem:s25+$0x0]  }
0x85: {  	v17 =	vld [tilespmem:s25+$0xFFFFFFE0]  }
0x86: {  	[tilespmem:v10+s17+$0x0] =	vst.idx.add.f32.msk $0xffff, v13  }
0x87: {  	v13 =	vand.u32 $0xFFFF, v14;
	v18 =	vld.idx.msk [tilespmem:v11+s3+$0x0], $0xffff  }
0x88: {  	v11 =	vand.u32 $0xFFFF, v15;
	v15 =	vshrl.u32 v15, $0x10;
	v19 =	vld.idx.msk [tilespmem:v9+s3+$0x0], $0xffff  }
0x89: {  	v20 =	vadd.s32 $0x2710, v11;
	v9 =	vand.u32 $0xFFFF, v16;
	v10 =	vshrl.u32 v16, $0x10;
	[tilespmem:v8+s17+$0x0] =	vst.idx.add.f32.msk $0xffff, v12  }
0x8a: {  	v8 =	vand.u32 $0xFFFF, v17;
	v12 =	vadd.s32 $0x2710, v9;
	[tilespmem:v5+s18+$0x0] =	vst.idx.add.f32.msk $0xffff, v1;
	v5 =	vshrl.u32 v17, $0x10  }
0x8b: {  	v21 =	vadd.s32 $0x2710, v15;
	v16 =	vadd.s32 $0x2710, v8;
	v17 =	vadd.s32 $0x2710, v5;
	[tilespmem:v2+s18+$0x0] =	vst.idx.add.f32.msk $0xffff, v1;
	v2 =	vmovc v4;
	v4 =	vmovc v10  }
0x8c: {  	v23 =	vadd.s32 $0x4E20, v11;
	v22 =	vadd.s32 $0x4E20, v8;
	v24 =	vadd.s32 $0x2710, v4;
	v25 =	vld.idx.msk [tilespmem:v13+s3+$0x0], $0xffff  }
0x8d: {  	v14 =	vshrl.u32 v14, $0x10;
	v28 =	vadd.s32 $0x4E20, v9;
	v26 =	vadd.s32 $0x4E20, v5;
	v27 =	vld.idx.msk [tilespmem:v11+s3+$0x0], $0xffff  }
0x8e: {  	v31 =	vadd.s32 $0x2710, v13;
	v29 =	vadd.s32 $0x4E20, v15;
	v10 =	vadd.s32 $0x4E20, v4;
	v30 =	vld.idx.msk [tilespmem:v9+s3+$0x0], $0xffff  }
0x8f: {  	v33 =	vadd.s32 $0x7530, v8;
	v11 =	vadd.s32 $0x7530, v11;
	v9 =	vadd.s32 $0x7530, v9;
	v32 =	vld.idx.msk [tilespmem:v8+s3+$0x0], $0xffff  }
0x90: {  	v34 =	vadd.s32 $0x7530, v4;
	v8 =	vadd.s32 $0x7530, v5;
	[tilespmem:v7+s17+$0x0] =	vst.idx.add.f32.msk $0xffff, v18;
	v7 =	vadd.s32 $0x7530, v15  }
0x91: {  	[tilespmem:v3+s18+$0x0] =	vst.idx.add.f32.msk $0xffff, v1;
	v3 =	vmov v15  }
0x92: {  	[tilespmem:v14+s17+$0x0] =	vst.idx.add.f32.msk $0xffff, v25  }
0x93: {  	v18 =	vld.idx.msk [tilespmem:v31+s3+$0x0], $0xffff  }
0x94: {  	[tilespmem:v15+s17+$0x0] =	vst.idx.add.f32.msk $0xffff, v27;
	v15 =	vadd.s32 $0x2710, v14  }
0x95: {  	v25 =	vadd.s32 $0x4E20, v13;
	[tilespmem:v5+s17+$0x0] =	vst.idx.add.f32.msk $0xffff, v32  }
0x96: {  	[tilespmem:v4+s17+$0x0] =	vst.idx.add.f32.msk $0xffff, v30  }
0x97: {  	v16 =	vld.idx.msk [tilespmem:v16+s3+$0x0], $0xffff  }
0x98: {  	v20 =	vld.idx.msk [tilespmem:v20+s3+$0x0], $0xffff  }
0x99: {  	[tilespmem:v15+s17+$0x0] =	vst.idx.add.f32.msk $0xffff, v18  }
0x9a: {  	v15 =	vld.idx.msk [tilespmem:v25+s3+$0x0], $0xffff  }
0x9b: {  	v18 =	vadd.s32 $0x4E20, v14;
	v12 =	vld.idx.msk [tilespmem:v12+s3+$0x0], $0xffff  }
0x9c: {  	v13 =	vadd.s32 $0x7530, v13;
	[tilespmem:v6+s17+$0x0] =	vst.idx.add.f32.msk $0xffff, v19;
	v6 =	vmov v34  }
0x9d: {  	[tilespmem:v17+s17+$0x0] =	vst.idx.add.f32.msk $0xffff, v16  }
0x9e: {  	[tilespmem:v21+s17+$0x0] =	vst.idx.add.f32.msk $0xffff, v20  }
0x9f: {  	v16 =	vld.idx.msk [tilespmem:v22+s3+$0x0], $0xffff  }
0xa0: {  	[tilespmem:v18+s17+$0x0] =	vst.idx.add.f32.msk $0xffff, v15  }
0xa1: {  	v15 =	vld.idx.msk [tilespmem:v13+s3+$0x0], $0xffff  }
0xa2: {  	v17 =	vadd.s32 $0x7530, v14;
	[tilespmem:v24+s17+$0x0] =	vst.idx.add.f32.msk $0xffff, v12  }
0xa3: {  	v18 =	vld.idx.msk [tilespmem:v23+s3+$0x0], $0xffff  }
0xa4: {  	v13 =	vld.idx.msk [tilespmem:v28+s3+$0x0], $0xffff  }
.Ltmp2:
0xa5: {  	[tilespmem:v26+s17+$0x0] =	vst.idx.add.f32.msk $0xffff, v16;
	(pc) =	sbr.rel @p1 .LBB2_7-.Ltmp2, $4  }
0xa6: {  	v12 =	vld.idx.msk [tilespmem:v33+s3+$0x0], $0xffff  }
0xa7: {  	[tilespmem:v17+s17+$0x0] =	vst.idx.add.f32.msk $0xffff, v15  }
0xa8: {  	[tilespmem:v14+s18+$0x0] =	vst.idx.add.f32.msk $0xffff, v1  }
0xa9: {  	s25 =	sadd.s32 $0x40, s25;
	[tilespmem:v29+s17+$0x0] =	vst.idx.add.f32.msk $0xffff, v18  }
0xaa: {  	_ =	sdelay $0x3  }
0xab: {  	[tilespmem:v10+s17+$0x0] =	vst.idx.add.f32.msk $0xffff, v13  }
0xac: {  	v10 =	vld.idx.msk [tilespmem:v11+s3+$0x0], $0xffff  }
0xad: {  	[tilespmem:v2+s18+$0x0] =	vst.idx.add.f32.msk $0xffff, v1  }
0xae: {  	s23 =	sadd.s32 s23, s8;
	v9 =	vld.idx.msk [tilespmem:v9+s3+$0x0], $0xffff  }
0xaf: {  	[tilespmem:v8+s17+$0x0] =	vst.idx.add.f32.msk $0xffff, v12;
	s24 =	sadd.s32 $0xFFFFFFEC, s23  }
0xb0: {  	[tilespmem:v5+s18+$0x0] =	vst.idx.add.f32.msk $0xffff, v1;
	s23 =	smin.u32 s24, s23  }
0xb1: {  	s23 =	smul.u32 $0x3E80, s23;
	[tilespmem:v7+s17+$0x0] =	vst.idx.add.f32.msk $0xffff, v10  }
0xb2: {  	[tilespmem:v3+s18+$0x0] =	vst.idx.add.f32.msk $0xffff, v1  }
0xb3: {  	s23 =	sshrl.u32 s23, $0x3;
	[tilespmem:v6+s17+$0x0] =	vst.idx.add.f32.msk $0xffff, v9  }
0xb4: {  	s23 =	sadd.s32 s2, s23;
	[tilespmem:v4+s18+$0x0] =	vst.idx.add.f32.msk $0xffff, v1  }
0xb5: {  	[tilespmem:s13], [sflag:$0x2] =	stream.linear.gather [hbm4b:s23+s3], $0x3E80, $0x38;
	[tilespmem:$0x1DD80] =	vst v63  }
0xb6: {  	_ =	swait.ge [sflag:s19], $0x3E80  }
0xb7: {  	[sflag:s19] =	ssyncset.done $0x0  }
0xb8: {  	s30 =	simm.s32 $0x19F20;
	[sflag:s19] =	ssyncadd.s32 $0xFFFFC180  }
0xb9: {  	v2 =	vld [tilespmem:s30+$0x10]  }
0xba: {  	v3 =	vld [tilespmem:s30+$0xFFFFFFF0]  }
0xbb: {  	v4 =	vld [tilespmem:s30+$0xFFFFFFE0]  }
0xbc: {  	v5 =	vld [tilespmem:s30+$0x0];
	_ =	sdelay $0x1  }
0xbd: {  	v6 =	vand.u32 $0xFFFF, v2  }
0xbe: {  	v7 =	vand.u32 $0xFFFF, v3  }
0xbf: {  	v8 =	vand.u32 $0xFFFF, v4  }
0xc0: {  	v9 =	vand.u32 $0xFFFF, v5;
	_ =	sdelay $0x1  }
0xc1: {  	v11 =	vshrl.u32 v2, $0x10;
	v10 =	vld.idx.msk [tilespmem:v6+s3+$0x0], $0xffff  }
0xc2: {  	v13 =	vshrl.u32 v3, $0x10;
	v3 =	vld.idx.msk [tilespmem:v7+s3+$0x0], $0xffff  }
0xc3: {  	v4 =	vshrl.u32 v4, $0x10;
	v14 =	vld.idx.msk [tilespmem:v8+s3+$0x0], $0xffff  }
0xc4: {  	v2 =	vshrl.u32 v5, $0x10;
	v5 =	vld.idx.msk [tilespmem:v9+s3+$0x0], $0xffff  }
0xc5: {  	v12 =	vadd.s32 $0x2710, v6  }
0xc6: {  	v15 =	vadd.s32 $0x2710, v8;
	[tilespmem:v11+s17+$0x0] =	vst.idx.add.f32.msk $0xffff, v10  }
0xc7: {  	[tilespmem:v13+s17+$0x0] =	vst.idx.add.f32.msk $0xffff, v3  }
0xc8: {  	[tilespmem:v4+s17+$0x0] =	vst.idx.add.f32.msk $0xffff, v14  }
0xc9: {  	v10 =	vadd.s32 $0x2710, v7;
	[tilespmem:v2+s17+$0x0] =	vst.idx.add.f32.msk $0xffff, v5  }
0xca: {  	v3 =	vadd.s32 $0x2710, v11;
	v12 =	vld.idx.msk [tilespmem:v12+s3+$0x0], $0xffff  }
0xcb: {  	v5 =	vadd.s32 $0x2710, v4;
	v15 =	vld.idx.msk [tilespmem:v15+s3+$0x0], $0xffff  }
0xcc: {  	v14 =	vadd.s32 $0x4E20, v6  }
0xcd: {  	v16 =	vadd.s32 $0x2710, v9  }
0xce: {  	v18 =	vadd.s32 $0x4E20, v8;
	v10 =	vld.idx.msk [tilespmem:v10+s3+$0x0], $0xffff  }
0xcf: {  	v17 =	vadd.s32 $0x2710, v13;
	[tilespmem:v3+s17+$0x0] =	vst.idx.add.f32.msk $0xffff, v12  }
0xd0: {  	[tilespmem:v5+s17+$0x0] =	vst.idx.add.f32.msk $0xffff, v15;
	v5 =	vadd.s32 $0x4E20, v7  }
0xd1: {  	v12 =	vadd.s32 $0x4E20, v11;
	v3 =	vld.idx.msk [tilespmem:v14+s3+$0x0], $0xffff  }
0xd2: {  	v53 =	vadd.s32 $0x2710, v2;
	v14 =	vld.idx.msk [tilespmem:v16+s3+$0x0], $0xffff  }
0xd3: {  	v54 =	vadd.s32 $0x4E20, v4;
	v15 =	vld.idx.msk [tilespmem:v18+s3+$0x0], $0xffff  }
0xd4: {  	v6 =	vadd.s32 $0x7530, v6;
	[tilespmem:v17+s17+$0x0] =	vst.idx.add.f32.msk $0xffff, v10  }
0xd5: {  	v5 =	vld.idx.msk [tilespmem:v5+s3+$0x0], $0xffff  }
0xd6: {  	[tilespmem:v12+s17+$0x0] =	vst.idx.add.f32.msk $0xffff, v3  }
0xd7: {  	v10 =	vadd.s32 $0x4E20, v9;
	[tilespmem:v53+s17+$0x0] =	vst.idx.add.f32.msk $0xffff, v14  }
0xd8: {  	v3 =	vadd.s32 $0x7530, v8;
	[tilespmem:v54+s17+$0x0] =	vst.idx.add.f32.msk $0xffff, v15  }
0xd9: {  	s31 =	simm.s32 $0x19F60;
	v8 =	vadd.s32 $0x7530, v11;
	v6 =	vld.idx.msk [tilespmem:v6+s3+$0x0], $0xffff  }
0xda: {  	v12 =	vld [tilespmem:s31+$0xFFFFFFF0]  }
0xdb: {  	v14 =	vld [tilespmem:s31+$0x0]  }
0xdc: {  	v10 =	vld.idx.msk [tilespmem:v10+s3+$0x0], $0xffff  }
0xdd: {  	v15 =	vadd.s32 $0x7530, v4;
	v3 =	vld.idx.msk [tilespmem:v3+s3+$0x0], $0xffff  }
0xde: {  	[tilespmem:v8+s17+$0x0] =	vst.idx.add.f32.msk $0xffff, v6;
	v6 =	vadd.s32 $0x4E20, v13  }
0xdf: {  	v8 =	vadd.s32 $0x4E20, v2;
	[tilespmem:v11+s18+$0x0] =	vst.idx.add.f32.msk $0xffff, v1  }
0xe0: {  	v11 =	vld [tilespmem:s31+$0x10]  }
0xe1: {  	v55 =	vld [tilespmem:s31+$0xFFFFFFE0];
	v7 =	vadd.s32 $0x7530, v7  }
0xe2: {  	v9 =	vadd.s32 $0x7530, v9;
	[tilespmem:v15+s17+$0x0] =	vst.idx.add.f32.msk $0xffff, v3  }
0xe3: {  	v56 =	vand.u32 $0xFFFF, v14;
	[tilespmem:v6+s17+$0x0] =	vst.idx.add.f32.msk $0xffff, v5  }
0xe4: {  	[tilespmem:v8+s17+$0x0] =	vst.idx.add.f32.msk $0xffff, v10;
	v8 =	vand.u32 $0xFFFF, v12  }
0xe5: {  	[tilespmem:v4+s18+$0x0] =	vst.idx.add.f32.msk $0xffff, v1;
	v6 =	vand.u32 $0xFFFF, v11  }
0xe6: {  	v3 =	vadd.s32 $0x7530, v13;
	v7 =	vld.idx.msk [tilespmem:v7+s3+$0x0], $0xffff  }
0xe7: {  	v10 =	vand.u32 $0xFFFF, v55;
	v9 =	vld.idx.msk [tilespmem:v9+s3+$0x0], $0xffff  }
0xe8: {  	v19 =	vshrl.u32 v11, $0x10;
	v11 =	vld.idx.msk [tilespmem:v56+s3+$0x0], $0xffff  }
0xe9: {  	v4 =	vshrl.u32 v12, $0x10;
	v57 =	vld.idx.msk [tilespmem:v8+s3+$0x0], $0xffff  }
0xea: {  	v15 =	vld.idx.msk [tilespmem:v6+s3+$0x0], $0xffff  }
0xeb: {  	[tilespmem:v3+s17+$0x0] =	vst.idx.add.f32.msk $0xffff, v7;
	v3 =	vshrl.u32 v14, $0x10  }
0xec: {  	v20 =	vadd.s32 $0x2710, v6;
	v12 =	vld.idx.msk [tilespmem:v10+s3+$0x0], $0xffff  }
0xed: {  	v5 =	vshrl.u32 v55, $0x10;
	[tilespmem:v13+s18+$0x0] =	vst.idx.add.f32.msk $0xffff, v1  }
0xee: {  	v7 =	vadd.s32 $0x2710, v10;
	[tilespmem:v4+s17+$0x0] =	vst.idx.add.f32.msk $0xffff, v57  }
0xef: {  	v13 =	vadd.s32 $0x2710, v8;
	[tilespmem:v19+s17+$0x0] =	vst.idx.add.f32.msk $0xffff, v15  }
0xf0: {  	[tilespmem:v3+s17+$0x0] =	vst.idx.add.f32.msk $0xffff, v11;
	v11 =	vadd.s32 $0x7530, v2  }
0xf1: {  	v15 =	vadd.s32 $0x2710, v19;
	v14 =	vld.idx.msk [tilespmem:v20+s3+$0x0], $0xffff  }
0xf2: {  	v58 =	vadd.s32 $0x2710, v56;
	[tilespmem:v5+s17+$0x0] =	vst.idx.add.f32.msk $0xffff, v12  }
0xf3: {  	v59 =	vadd.s32 $0x2710, v5;
	v7 =	vld.idx.msk [tilespmem:v7+s3+$0x0], $0xffff  }
0xf4: {  	v12 =	vadd.s32 $0x4E20, v6;
	v13 =	vld.idx.msk [tilespmem:v13+s3+$0x0], $0xffff  }
0xf5: {  	v60 =	vadd.s32 $0x2710, v4;
	[tilespmem:v11+s17+$0x0] =	vst.idx.add.f32.msk $0xffff, v9  }
0xf6: {  	[tilespmem:v15+s17+$0x0] =	vst.idx.add.f32.msk $0xffff, v14;
	v14 =	vadd.s32 $0x4E20, v10  }
0xf7: {  	v9 =	vadd.s32 $0x2710, v3;
	v15 =	vld.idx.msk [tilespmem:v58+s3+$0x0], $0xffff  }
0xf8: {  	[tilespmem:v59+s17+$0x0] =	vst.idx.add.f32.msk $0xffff, v7;
	v7 =	vadd.s32 $0x4E20, v8  }
0xf9: {  	v61 =	vadd.s32 $0x4E20, v19;
	v12 =	vld.idx.msk [tilespmem:v12+s3+$0x0], $0xffff  }
0xfa: {  	v6 =	vadd.s32 $0x7530, v6;
	[tilespmem:v60+s17+$0x0] =	vst.idx.add.f32.msk $0xffff, v13  }
0xfb: {  	v11 =	vadd.s32 $0x4E20, v56;
	v14 =	vld.idx.msk [tilespmem:v14+s3+$0x0], $0xffff  }
0xfc: {  	v62 =	vadd.s32 $0x4E20, v5;
	[tilespmem:v9+s17+$0x0] =	vst.idx.add.f32.msk $0xffff, v15  }
0xfd: {  	v63 =	vadd.s32 $0x4E20, v4;
	v15 =	vld.idx.msk [tilespmem:v7+s3+$0x0], $0xffff  }
0xfe: {  	v10 =	vadd.s32 $0x7530, v10;
	[tilespmem:v61+s17+$0x0] =	vst.idx.add.f32.msk $0xffff, v12  }
0xff: {  	v9 =	vadd.s32 $0x7530, v19;
	v6 =	vld.idx.msk [tilespmem:v6+s3+$0x0], $0xffff  }
0x100: {  	v13 =	vld.idx.msk [tilespmem:v11+s3+$0x0], $0xffff  }
0x101: {  	[tilespmem:v62+s17+$0x0] =	vst.idx.add.f32.msk $0xffff, v14  }
0x102: {  	[tilespmem:v63+s17+$0x0] =	vst.idx.add.f32.msk $0xffff, v15  }
0x103: {  	v12 =	vld.idx.msk [tilespmem:v10+s3+$0x0], $0xffff  }
0x104: {  	v7 =	vadd.s32 $0x7530, v4;
	v11 =	vadd.s32 $0x7530, v8;
	v8 =	vadd.s32 $0x7530, v5;
	[tilespmem:v9+s17+$0x0] =	vst.idx.add.f32.msk $0xffff, v6  }
0x105: {  	s24 =	simm.s32 $0x19FA0;
	s23 =	simm.s32 $0x4;
	v10 =	vadd.s32 $0x4E20, v3;
	v9 =	vadd.s32 $0x7530, v56;
	v6 =	vadd.s32 $0x7530, v3;
	[tilespmem:v19+s18+$0x0] =	vst.idx.add.f32.msk $0xffff, v1  }
.LBB2_9:
0x106: {  	v14 =	vld [tilespmem:s24+$0x10]  }
0x107: {  	s23 =	sadd.s32 $0x4, s23;
	v15 =	vld [tilespmem:s24+$0xFFFFFFF0]  }
0x108: {  	p1 =	slt.u32 s23, $0x3E4;
	v16 =	vld [tilespmem:s24+$0x0]  }
0x109: {  	v17 =	vld [tilespmem:s24+$0xFFFFFFE0]  }
0x10a: {  	[tilespmem:v10+s17+$0x0] =	vst.idx.add.f32.msk $0xffff, v13  }
0x10b: {  	v13 =	vand.u32 $0xFFFF, v14;
	v18 =	vld.idx.msk [tilespmem:v11+s3+$0x0], $0xffff  }
0x10c: {  	v11 =	vand.u32 $0xFFFF, v15;
	v15 =	vshrl.u32 v15, $0x10;
	v19 =	vld.idx.msk [tilespmem:v9+s3+$0x0], $0xffff  }
0x10d: {  	v20 =	vadd.s32 $0x2710, v11;
	v9 =	vand.u32 $0xFFFF, v16;
	v10 =	vshrl.u32 v16, $0x10;
	[tilespmem:v8+s17+$0x0] =	vst.idx.add.f32.msk $0xffff, v12  }
0x10e: {  	v8 =	vand.u32 $0xFFFF, v17;
	v12 =	vadd.s32 $0x2710, v9;
	[tilespmem:v5+s18+$0x0] =	vst.idx.add.f32.msk $0xffff, v1;
	v5 =	vshrl.u32 v17, $0x10  }
0x10f: {  	v21 =	vadd.s32 $0x2710, v15;
	v16 =	vadd.s32 $0x2710, v8;
	v17 =	vadd.s32 $0x2710, v5;
	[tilespmem:v2+s18+$0x0] =	vst.idx.add.f32.msk $0xffff, v1;
	v2 =	vmovc v3;
	v3 =	vmovc v10  }
0x110: {  	v23 =	vadd.s32 $0x4E20, v11;
	v22 =	vadd.s32 $0x4E20, v8;
	v24 =	vadd.s32 $0x2710, v3;
	v25 =	vld.idx.msk [tilespmem:v13+s3+$0x0], $0xffff  }
0x111: {  	v14 =	vshrl.u32 v14, $0x10;
	v28 =	vadd.s32 $0x4E20, v9;
	v26 =	vadd.s32 $0x4E20, v5;
	v27 =	vld.idx.msk [tilespmem:v11+s3+$0x0], $0xffff  }
0x112: {  	v31 =	vadd.s32 $0x2710, v13;
	v29 =	vadd.s32 $0x4E20, v15;
	v10 =	vadd.s32 $0x4E20, v3;
	v30 =	vld.idx.msk [tilespmem:v9+s3+$0x0], $0xffff  }
0x113: {  	v33 =	vadd.s32 $0x7530, v8;
	v11 =	vadd.s32 $0x7530, v11;
	v9 =	vadd.s32 $0x7530, v9;
	v32 =	vld.idx.msk [tilespmem:v8+s3+$0x0], $0xffff  }
0x114: {  	v34 =	vadd.s32 $0x7530, v3;
	v8 =	vadd.s32 $0x7530, v5;
	[tilespmem:v7+s17+$0x0] =	vst.idx.add.f32.msk $0xffff, v18;
	v7 =	vadd.s32 $0x7530, v15  }
0x115: {  	[tilespmem:v4+s18+$0x0] =	vst.idx.add.f32.msk $0xffff, v1;
	v4 =	vmov v15  }
0x116: {  	[tilespmem:v14+s17+$0x0] =	vst.idx.add.f32.msk $0xffff, v25  }
0x117: {  	v18 =	vld.idx.msk [tilespmem:v31+s3+$0x0], $0xffff  }
0x118: {  	[tilespmem:v15+s17+$0x0] =	vst.idx.add.f32.msk $0xffff, v27;
	v15 =	vadd.s32 $0x2710, v14  }
0x119: {  	v25 =	vadd.s32 $0x4E20, v13;
	[tilespmem:v5+s17+$0x0] =	vst.idx.add.f32.msk $0xffff, v32  }
0x11a: {  	[tilespmem:v3+s17+$0x0] =	vst.idx.add.f32.msk $0xffff, v30  }
0x11b: {  	v16 =	vld.idx.msk [tilespmem:v16+s3+$0x0], $0xffff  }
0x11c: {  	v20 =	vld.idx.msk [tilespmem:v20+s3+$0x0], $0xffff  }
0x11d: {  	[tilespmem:v15+s17+$0x0] =	vst.idx.add.f32.msk $0xffff, v18  }
0x11e: {  	v15 =	vld.idx.msk [tilespmem:v25+s3+$0x0], $0xffff  }
0x11f: {  	v18 =	vadd.s32 $0x4E20, v14;
	v12 =	vld.idx.msk [tilespmem:v12+s3+$0x0], $0xffff  }
0x120: {  	v13 =	vadd.s32 $0x7530, v13;
	[tilespmem:v6+s17+$0x0] =	vst.idx.add.f32.msk $0xffff, v19;
	v6 =	vmov v34  }
0x121: {  	[tilespmem:v17+s17+$0x0] =	vst.idx.add.f32.msk $0xffff, v16  }
0x122: {  	[tilespmem:v21+s17+$0x0] =	vst.idx.add.f32.msk $0xffff, v20  }
0x123: {  	v16 =	vld.idx.msk [tilespmem:v22+s3+$0x0], $0xffff  }
0x124: {  	[tilespmem:v18+s17+$0x0] =	vst.idx.add.f32.msk $0xffff, v15  }
0x125: {  	v15 =	vld.idx.msk [tilespmem:v13+s3+$0x0], $0xffff  }
0x126: {  	v17 =	vadd.s32 $0x7530, v14;
	[tilespmem:v24+s17+$0x0] =	vst.idx.add.f32.msk $0xffff, v12  }
0x127: {  	v18 =	vld.idx.msk [tilespmem:v23+s3+$0x0], $0xffff  }
0x128: {  	v13 =	vld.idx.msk [tilespmem:v28+s3+$0x0], $0xffff  }
.Ltmp3:
0x129: {  	[tilespmem:v26+s17+$0x0] =	vst.idx.add.f32.msk $0xffff, v16;
	(pc) =	sbr.rel @p1 .LBB2_9-.Ltmp3, $4  }
0x12a: {  	v12 =	vld.idx.msk [tilespmem:v33+s3+$0x0], $0xffff  }
0x12b: {  	[tilespmem:v17+s17+$0x0] =	vst.idx.add.f32.msk $0xffff, v15  }
0x12c: {  	[tilespmem:v14+s18+$0x0] =	vst.idx.add.f32.msk $0xffff, v1  }
0x12d: {  	s24 =	sadd.s32 $0x40, s24;
	[tilespmem:v29+s17+$0x0] =	vst.idx.add.f32.msk $0xffff, v18  }
0x12e: {  	_ =	sdelay $0x3  }
0x12f: {  	[tilespmem:v10+s17+$0x0] =	vst.idx.add.f32.msk $0xffff, v13  }
0x130: {  	v63 =	vld.idx.msk [tilespmem:v11+s3+$0x0], $0xffff  }
0x131: {  	[tilespmem:v2+s18+$0x0] =	vst.idx.add.f32.msk $0xffff, v1  }
0x132: {  	s22 =	sadd.s32 $0x1, s22;
	v9 =	vld.idx.msk [tilespmem:v9+s3+$0x0], $0xffff  }
0x133: {  	[tilespmem:v8+s17+$0x0] =	vst.idx.add.f32.msk $0xffff, v12;
	p1 =	sne.s32 s22, $0xA  }
.Ltmp4:
0x134: {  	[tilespmem:v5+s18+$0x0] =	vst.idx.add.f32.msk $0xffff, v1;
	(pc) =	sbr.rel @p1 .LBB2_6-.Ltmp4, $4  }
0x135: {  	[tilespmem:v7+s17+$0x0] =	vst.idx.add.f32.msk $0xffff, v63  }
0x136: {  	[tilespmem:v4+s18+$0x0] =	vst.idx.add.f32.msk $0xffff, v1  }
0x137: {  	[tilespmem:v6+s17+$0x0] =	vst.idx.add.f32.msk $0xffff, v9  }
0x138: {  	[tilespmem:v3+s18+$0x0] =	vst.idx.add.f32.msk $0xffff, v1  }
0x139: {  	_ =	swait.ge [sflag:s16], $0x3E80  }
0x13a: {  	[sflag:s16] =	ssyncset.done $0x0  }
0x13b: {  	[sflag:s16] =	ssyncadd.s32 $0xFFFFC180  }
0x13c: {  	[hbm4b:s9+s11] =	stream.strided.scatter [tilespmem:s17], [sflag:$0x4], $0x9C80, s12, s11, $0x38;
	[tilespmem:$0x1DD80] =	vst v63  }
0x13d: {  	_ =	swait.ge [sflag:s20], $0x9C80  }
0x13e: {  	s22 =	simm.s32 @!p0 $0x0;
	s21 =	sadd.s32 $0x1, s21;
	[sflag:s20] =	ssyncset.done $0x0  }
0x13f: {  	s23 =	simm.s32 @!p0 $0x13900;
	p1 =	sne.s32 s21, s10;
	[sflag:s20] =	ssyncadd.s32 $0xFFFF6380  }
0x140: {  	[hbm4b:s5+s22] =	stream.linear.scatter @!p0 [tilespmem:s23], [sflag:$0x4], $0x2780, $0x38;
	[tilespmem:$0x1DD80] =	vst v63  }
.Ltmp5:
0x141: {  	_ = 	snop;
	(pc) =	sbr.rel @p1 .LBB2_1-.Ltmp5, $4  }
0x142: {  	s22 =	simm.s32 @!p0 $0x4  }
0x143: {  	_ =	swait.ge @!p0 [sflag:s22], $0x2780  }
0x144: {  	[sflag:s22] =	ssyncset.done @!p0 $0x0  }
0x145: {  	[sflag:s22] =	ssyncadd.s32 @!p0 $0xFFFFD880  }
0x146: {  	_ =	sfence.sel $0x180000  }
0x147: {  	[bflag:$0x0] =	sbarrier.arrive $0xFFFF  }
0x148: {  	p0 =	sne.s32 s0, $0x0;
	_ =	strace $0x90000047  }
0x149: {  	s0 =	sadd.s32 @!p0 $0x100000, s1;
	[bflag:$0x2] =	sbarrier.arrive $0xFFFF  }
0x14a: {  	[sflag:s0] =	ssyncadd.tile.s32 @!p0 $0x1;
	_ =	shalt  }
.Lfunc_end2:
_tile_overlayer_lowered:
.L_overlay_start_2:
0x14b: {  	(tag) =	ssettag $0x2  }
0x14c: {  	s0 =	rddreg [dreg:$0x0];
	s2 =	stileid.u32  }
0x14d: {  	s1 =	rddreg [dreg:$0x1];
	p0 =	sne.s32 s2, $0x0  }
0x14e: {  	s3 =	rddreg [dreg:$0x2];
	[bflag:$0x3] =	sbarrier.arrive $0xFFFF;
	s2 =	simm.s32 @!p0 $0x1C04  }
0x14f: {  	[timem:s3], [sflag:s2] =	dma.local @!p0 [hbm:s0], s1  }
0x150: {  	s0 =	simm.s32 @!p0 $0x4  }
0x151: {  	_ =	swait.ge @!p0 [sflag:s0], s1  }
0x152: {  	s1 =	ssub.s32 @!p0 $0x0, s1;
	[sflag:s0] =	ssyncset.done @!p0 $0x0  }
0x153: {  	[sflag:s0] =	ssyncadd.s32 @!p0 s1  }
0x154: {  	[bflag:$0x3] =	sbarrier.arrive $0xFFFF  }
0x155: {  	_ =	shalt  }

</sc_bundles>
